<compile_context>
chip_gen: v7x
topology: tpu7x:2x2x1
jax: 0.10.2.dev20260603
libtpu: 0.0.44.dev20260713+nightly
codegen_flags: <defaults>
</compile_context>

<pallas_src>
import dataclasses
import functools

import jax
import jax.numpy as jnp
from jax import lax
from jax.experimental import pallas as pl
from jax.experimental.pallas import tpu as pltpu
from jax.experimental.pallas import tpu_sc as plsc

B, N, C, NCLS = 64, 900, 256, 80
K = 12
BETA = 0.08
L = 16
NPAD = 1024
NCHUNK = 57
NEG = -3.0e38


def _quality_body(s_ref, q_ref):
    m = jnp.max(s_ref[...], axis=1)
    pad = jnp.full((m.shape[0], NPAD - N), NEG, m.dtype)
    q_ref[...] = jnp.concatenate([m, pad], axis=-1)


def _quality(scores_cn):
    blk = 16
    return pl.pallas_call(
        _quality_body,
        grid=(B // blk,),
        in_specs=[pl.BlockSpec((blk, NCLS, N), lambda i: (i, 0, 0))],
        out_specs=pl.BlockSpec((blk, NPAD), lambda i: (i, 0)),
        out_shape=jax.ShapeDtypeStruct((B, NPAD), jnp.float32),
    )(scores_cn)


def _sc_body(q_hbm, feat_hbm, out_hbm, qrow, schunks, idxbuf, rows,
             pooled, sem):
    wid = lax.axis_index("s") * 2 + lax.axis_index("c")
    lane = lax.iota(jnp.int32, L)
    zero16 = jnp.zeros((L,), jnp.int32)
    inv_k = jnp.float32(1.0 / K)

    @pl.loop(0, 2)
    def _(t):
        b = wid * 2 + t
        pltpu.sync_copy(q_hbm.at[b], qrow)

        def sort_chunk(i, c):
            off = pl.multiple_of(i * L, L)
            schunks[pl.ds(off, L)] = jnp.sort(qrow[pl.ds(off, L)])
            return c

        lax.fori_loop(0, NCHUNK, sort_chunk, 0)

        def merge(i, best):
            off = pl.multiple_of(i * L, L)
            return jnp.sort(jnp.maximum(best, schunks[pl.ds(off, L)][::-1]))

        best = lax.fori_loop(0, NCHUNK, merge,
                             jnp.full((L,), NEG, jnp.float32))
        vk = jnp.max(jnp.where(lane == (L - K), best, NEG))
        c_gt = plsc.all_reduce_population_count(best > vk)
        need_eq = K - c_gt

        def select_chunk(i, carry):
            nsel, neq = carry
            off = pl.multiple_of(i * L, L)
            v = qrow[pl.ds(off, L)]
            gtm = v > vk
            eqm = v == vk
            eq_pref = jnp.cumsum(eqm.astype(jnp.int32))
            sel = gtm | (eqm & ((neq + eq_pref) <= need_eq))
            sel_pref = jnp.cumsum(sel.astype(jnp.int32))
            pos = nsel + sel_pref - 1
            rec = (i * L + lane) * 8 + (b // 8)
            plsc.store_scatter(idxbuf, [pos], rec, mask=sel)
            return (nsel + plsc.all_reduce_population_count(sel),
                    neq + plsc.all_reduce_population_count(eqm))

        lax.fori_loop(0, NCHUNK, select_chunk, (zero16, zero16))

        pltpu.async_copy(feat_hbm.at[idxbuf], rows, sem).wait()
        b_lo = b % 8

        def cchunk(cc, c):
            ct = cc // 8
            off = pl.multiple_of((cc % 8) * L, L)
            acc = rows[0, ct, b_lo, pl.ds(off, L)]
            for r in range(1, K):
                acc = acc + rows[r, ct, b_lo, pl.ds(off, L)]
            pooled[pl.ds(pl.multiple_of(cc * L, L), L)] = acc * inv_k
            return c

        lax.fori_loop(0, 2 * (128 // L), cchunk, 0)
        pltpu.sync_copy(pooled, out_hbm.at[b])


def _topk_pool(q, feat2d):
    mesh = plsc.VectorSubcoreMesh(core_axis_name="c", subcore_axis_name="s")
    cp = pltpu.CompilerParams()
    if "needs_layout_passes" in pltpu.CompilerParams.__dataclass_fields__:
        cp = dataclasses.replace(cp, needs_layout_passes=False)
    fn = pl.kernel(
        _sc_body,
        mesh=mesh,
        compiler_params=cp,
        out_type=jax.ShapeDtypeStruct((B, C), jnp.float32),
        scratch_types=[
            pltpu.VMEM((NPAD,), jnp.float32),
            pltpu.VMEM((NPAD,), jnp.float32),
            pltpu.VMEM((K,), jnp.int32),
            pltpu.VMEM((K, 2, 8, 128), jnp.float32),
            pltpu.VMEM((C,), jnp.float32),
            pltpu.SemaphoreType.DMA,
        ],
    )
    return fn(q, feat2d)


_DN_T = (((1,), (1,)), ((), ()))


def _gru_body(pooled_ref, h_ref, wg_ref, bg_ref, wih_ref, whh_ref, bih_ref,
              bhh_ref, lnw_ref, lnb_ref, scale_ref):
    pooled = pooled_ref[...]
    h = h_ref[...]
    gi = lax.dot_general(pooled, wih_ref[...], _DN_T,
                         preferred_element_type=jnp.float32) + bih_ref[...]
    gh = lax.dot_general(h, whh_ref[...], _DN_T,
                         preferred_element_type=jnp.float32) + bhh_ref[...]
    i_r, i_z, i_n = gi[:, :C], gi[:, C:2 * C], gi[:, 2 * C:]
    h_r, h_z, h_n = gh[:, :C], gh[:, C:2 * C], gh[:, 2 * C:]
    r = jax.nn.sigmoid(i_r + h_r)
    z = jax.nn.sigmoid(i_z + h_z)
    ng = jnp.tanh(i_n + r * h_n)
    hnew = (1.0 - z) * ng + z * h
    mu = jnp.mean(hnew, axis=-1, keepdims=True)
    var = jnp.mean((hnew - mu) ** 2, axis=-1, keepdims=True)
    mem = (hnew - mu) / jnp.sqrt(var + 1e-5) * lnw_ref[...] + lnb_ref[...]
    gate = jax.nn.sigmoid(
        lax.dot_general(mem, wg_ref[...], _DN_T,
                        preferred_element_type=jnp.float32) + bg_ref[...])
    scale_ref[...] = 1.0 + BETA * gate


def _gru_gate(pooled, h, wg_t, b_gate, wih_t, whh_t, b_ih, b_hh, ln_w, ln_b):
    return pl.pallas_call(
        _gru_body,
        out_shape=jax.ShapeDtypeStruct((B, C), jnp.float32),
    )(pooled, h, wg_t, b_gate, wih_t, whh_t, b_ih, b_hh, ln_w, ln_b)


def _apply_body(qf_ref, sc_ref, out_ref):
    out_ref[...] = qf_ref[...] * sc_ref[...]


def _apply(qf_t, scale3):
    blk = 100
    return pl.pallas_call(
        _apply_body,
        grid=(N // blk,),
        in_specs=[pl.BlockSpec((blk, B, C), lambda i: (i, 0, 0)),
                  pl.BlockSpec((1, B, C), lambda i: (0, 0, 0))],
        out_specs=pl.BlockSpec((blk, B, C), lambda i: (i, 0, 0)),
        out_shape=jax.ShapeDtypeStruct((N, B, C), jnp.float32),
    )(qf_t, scale3)


def kernel(query_feat, scores, prev_memory, W_gate, b_gate, W_ih, W_hh,
           b_ih, b_hh, ln_w, ln_b):
    scores_cn = scores.transpose(0, 2, 1)
    qf_t = query_feat.transpose(1, 0, 2)
    q = _quality(scores_cn)
    feat_rec = (query_feat.transpose(1, 0, 2)
                .reshape(N, 8, 8, 2, 128)
                .transpose(0, 1, 3, 2, 4)
                .reshape(N * 8, 2, 8, 128))
    pooled = _topk_pool(q, feat_rec)
    scale = _gru_gate(pooled, prev_memory, W_gate, b_gate, W_ih, W_hh,
                      b_ih, b_hh, ln_w, ln_b)
    out_t = _apply(qf_t, scale.reshape(1, B, C))
    return out_t.transpose(1, 0, 2)

# --- scband reference (transcript-rebuilt; emitter-appended) ---
"""Pipeline reference for scband-layer-query-memory-48086453846031 (READ-ONLY COPY).

The authoritative reference and input builder live on the scoring server;
editing this copy changes nothing except your own understanding.
"""

import jax, jax.numpy as jnp
import numpy as np

HIDDEN = 256
TOPK = 12
BETA = 0.08


def setup_inputs(seed: int = 0) -> dict:
    key = jax.random.key(seed)
    ks = jax.random.split(key, 12)
    b, n, c, ncls = 64, 900, HIDDEN, 80
    s = 1.0 / np.sqrt(c)
    inp = {
        "query_feat": jax.random.normal(ks[0], (b, n, c), dtype=jnp.float32),
        "scores": jax.random.normal(ks[1], (b, n, ncls), dtype=jnp.float32),
        "prev_memory": jax.random.normal(ks[2], (b, c), dtype=jnp.float32),
        "W_gate": jax.random.uniform(ks[3], (c, c), jnp.float32, -s, s),
        "b_gate": jax.random.uniform(ks[4], (c,), jnp.float32, -s, s),
        "W_ih": jax.random.uniform(ks[5], (3 * c, c), jnp.float32, -s, s),
        "W_hh": jax.random.uniform(ks[6], (3 * c, c), jnp.float32, -s, s),
        "b_ih": jax.random.uniform(ks[7], (3 * c,), jnp.float32, -s, s),
        "b_hh": jax.random.uniform(ks[8], (3 * c,), jnp.float32, -s, s),
        "ln_w": jnp.ones((c,), dtype=jnp.float32),
        "ln_b": jnp.zeros((c,), dtype=jnp.float32),
    }
    return inp


def reference(query_feat, scores, prev_memory, W_gate, b_gate, W_ih, W_hh, b_ih, b_hh, ln_w, ln_b):
    # ---- update(): top-k quality selection + gather + GRUCell + LayerNorm ----
    feat = jax.lax.stop_gradient(query_feat)  # feat = query_feat.detach()
    quality = jnp.max(jax.nn.sigmoid(jax.lax.stop_gradient(scores)), axis=-1)  # [b, n]
    n = feat.shape[1]
    k = min(max(TOPK, 1), n)
    _, idx = jax.lax.top_k(quality, k)  # [b, k]
    gathered = jnp.take_along_axis(feat, idx[:, :, None], axis=1)  # [b, k, c]
    pooled = jnp.mean(gathered, axis=1)  # [b, c]
    h = jax.lax.stop_gradient(prev_memory)
    # PyTorch GRUCell: gates ordered (r, z, n)
    gi = pooled @ W_ih.T + b_ih
    gh = h @ W_hh.T + b_hh
    i_r, i_z, i_n = jnp.split(gi, 3, axis=-1)
    h_r, h_z, h_n = jnp.split(gh, 3, axis=-1)
    r = jax.nn.sigmoid(i_r + h_r)
    z = jax.nn.sigmoid(i_z + h_z)
    ng = jnp.tanh(i_n + r * h_n)
    hnew = (1.0 - z) * ng + z * h
    # LayerNorm (eps=1e-5)
    mu = jnp.mean(hnew, axis=-1, keepdims=True)
    var = jnp.var(hnew, axis=-1, keepdims=True)
    memory = (hnew - mu) / jnp.sqrt(var + 1e-5) * ln_w + ln_b  # [b, c]
    # ---- enhance(): gated scaling of query features ----
    gate = jax.nn.sigmoid(memory @ W_gate.T + b_gate)[:, None, :]  # [b, 1, c]
    out = query_feat * (1.0 + BETA * gate)  # [b, n, c]
    return out

if __name__ == "__main__":
    import jax
    _d = setup_inputs()
    print(jax.jit(kernel)(*tuple(_d.values())))

</pallas_src>

<mosaic_0001>
#map = affine_map<(d0, d1) -> (0, 0)>
#map1 = affine_map<(d0, d1) -> (0, 0, 0, 0)>
module attributes {stable_mosaic.version = 14 : i64} {
  func.func @_sc_body(%arg0: i32, %arg1: i32, %arg2: memref<64x1024xf32, #tpu.memory_space<hbm>>, %arg3: memref<7200x2x8x128xf32, #tpu.memory_space<hbm>>, %arg4: memref<64x256xf32, #tpu.memory_space<hbm>>, %arg5: memref<1024xf32, #tpu.memory_space<vmem>>, %arg6: memref<1024xf32, #tpu.memory_space<vmem>>, %arg7: memref<12xi32, #tpu.memory_space<vmem>>, %arg8: memref<12x2x8x128xf32, #tpu.memory_space<vmem>>, %arg9: memref<256xf32, #tpu.memory_space<vmem>>, %arg10: memref<!tpu.dma_semaphore, #tpu.memory_space<semaphore_mem>>) attributes {dimension_semantics = [#tpu.dimension_semantics<core_parallel>, #tpu.dimension_semantics<subcore_parallel>], iteration_bounds = array<i64: 2, 16>, scalar_prefetch = 0 : i64, scratch_operands = 6 : i64, tpu.core_type = #tpu.core_type<sc_vector_subcore>, window_params = [{transform_indices = #map}, {transform_indices = #map1}, {transform_indices = #map}]} {
    %mul3A = arith.constant 2 : i32
    %mul3A_0 = arith.muli %arg1, %mul3A : i32
    %add3A = arith.addi %mul3A_0, %arg0 : i32
    %iota3A = tpu.iota {dimensions = array<i32: 0>} : vector<16xi32>
    %broadcast_in_dim3A = arith.constant 0 : i32
    %broadcast_in_dim3A_1 = vector.broadcast %broadcast_in_dim3A : i32 to vector<16xi32>
    %scan3A = arith.constant 0.0833333358 : f32
    %scan3A_2 = arith.constant 0 : i32
    %scan3A_3 = arith.constant 2 : i32
    %scan3A_4 = arith.addi %scan3A_2, %scan3A_3 : i32
    %scan3A_5 = arith.constant 1 : i32
    scf.for %scan3A_7 = %scan3A_2 to %scan3A_4 step %scan3A_5  : i32 {
      %mul3A_8 = arith.constant 1 : i32
      %mul3A_9 = arith.muli %scan3A_7, %mul3A_8 : i32
      %add3A_10 = arith.constant 0 : i32
      %add3A_11 = arith.addi %add3A_10, %mul3A_9 : i32
      %mul3A_12 = arith.constant 2 : i32
      %mul3A_13 = arith.muli %add3A, %mul3A_12 : i32
      %add3A_14 = arith.addi %mul3A_13, %add3A_11 : i32
      "tpu.region"() ({
        %run_scoped3A = tpu.sem_alloc : memref<!tpu.dma_semaphore, #tpu.memory_space<semaphore_mem>>
        %dma_start3A_70 = arith.constant 0 : i32
        %dma_start3A_71 = tpu.memref_slice %arg2[%add3A_14, %dma_start3A_70] : memref<64x1024xf32, #tpu.memory_space<hbm>> -> memref<1x1024xf32, #tpu.memory_space<hbm>>
        %dma_start3A_72 = tpu.memref_squeeze %dma_start3A_71 : memref<1x1024xf32, #tpu.memory_space<hbm>> -> memref<1024xf32, #tpu.memory_space<hbm>>
        %dma_start3A_73 = arith.constant 0 : i32
        %dma_start3A_74 = tpu.memref_slice %arg2[%add3A_14, %dma_start3A_73] : memref<64x1024xf32, #tpu.memory_space<hbm>> -> memref<1x1024xf32, #tpu.memory_space<hbm>>
        %dma_start3A_75 = tpu.memref_squeeze %dma_start3A_74 : memref<1x1024xf32, #tpu.memory_space<hbm>> -> memref<1024xf32, #tpu.memory_space<hbm>>
        tpu.enqueue_dma source(%dma_start3A_75 : memref<1024xf32, #tpu.memory_space<hbm>>) target(%arg5 : memref<1024xf32, #tpu.memory_space<vmem>>) target_semaphore(%run_scoped3A : memref<!tpu.dma_semaphore, #tpu.memory_space<semaphore_mem>>)
        %dma_wait3A_76 = arith.constant 0 : i32
        %dma_wait3A_77 = tpu.memref_slice %arg2[%add3A_14, %dma_wait3A_76] : memref<64x1024xf32, #tpu.memory_space<hbm>> -> memref<1x1024xf32, #tpu.memory_space<hbm>>
        %dma_wait3A_78 = tpu.memref_squeeze %dma_wait3A_77 : memref<1x1024xf32, #tpu.memory_space<hbm>> -> memref<1024xf32, #tpu.memory_space<hbm>>
        %dma_wait3A_79 = arith.constant 0 : i32
        %dma_wait3A_80 = tpu.memref_slice %arg2[%add3A_14, %dma_wait3A_79] : memref<64x1024xf32, #tpu.memory_space<hbm>> -> memref<1x1024xf32, #tpu.memory_space<hbm>>
        %dma_wait3A_81 = tpu.memref_squeeze %dma_wait3A_80 : memref<1x1024xf32, #tpu.memory_space<hbm>> -> memref<1024xf32, #tpu.memory_space<hbm>>
        tpu.wait_dma2 semaphore(%run_scoped3A : memref<!tpu.dma_semaphore, #tpu.memory_space<semaphore_mem>>) src(%dma_wait3A_81 : memref<1024xf32, #tpu.memory_space<hbm>>) dst(%arg5 : memref<1024xf32, #tpu.memory_space<vmem>>)
        tpu.yield
      }) : () -> ()
      %scan3A_15 = arith.constant 0 : i32
      %scan3A_16 = arith.constant 0 : i32
      %scan3A_17 = arith.constant 57 : i32
      %scan3A_18 = arith.addi %scan3A_16, %scan3A_17 : i32
      %scan3A_19 = arith.constant 1 : i32
      scf.for %scan3A_70 = %scan3A_16 to %scan3A_18 step %scan3A_19  : i32 {
        %mul3A_71 = arith.constant 16 : i32
        %mul3A_72 = arith.muli %scan3A_70, %mul3A_71 : i32
        %multiple_of3A = tpu.assume_multiple %mul3A_72, 16 : i32
        %get3A = arith.index_cast %multiple_of3A : i32 to index
        %get3A_73 = tpu.vector_load %arg5[%get3A] {strides = array<i32>} : memref<1024xf32, #tpu.memory_space<vmem>>, vector<16xf32>,
        %sort3A = arith.constant dense<true> : vector<16xi1>
        %sort3A_74, %sort3A_75, %sort3A_76 = tpu.sort %get3A_73, %get3A_73 masked %sort3A : (vector<16xf32>, vector<16xf32>, vector<16xi1>) -> (vector<16xi1>, vector<16xf32>, vector<16xf32>)
        %swap3A = arith.index_cast %multiple_of3A : i32 to index
        %swap3A_77 = tpu.vector_load %arg6[%swap3A] {strides = array<i32>} : memref<1024xf32, #tpu.memory_space<vmem>>, vector<16xf32>,
        tpu.vector_store %arg6[%swap3A], %sort3A_75 {strides = array<i32>} : memref<1024xf32, #tpu.memory_space<vmem>>, vector<16xf32>,
      }
      %scan3A_20 = arith.constant 57 : i32
      %broadcast_in_dim3A_21 = arith.constant -3.000000e+38 : f32
      %broadcast_in_dim3A_22 = vector.broadcast %broadcast_in_dim3A_21 : f32 to vector<16xf32>
      %scan3A_23 = arith.constant 0 : i32
      %scan3A_24 = arith.constant 57 : i32
      %scan3A_25 = arith.addi %scan3A_23, %scan3A_24 : i32
      %scan3A_26 = arith.constant 1 : i32
      %scan3A_27 = scf.for %scan3A_70 = %scan3A_23 to %scan3A_25 step %scan3A_26 iter_args(%scan3A_71 = %broadcast_in_dim3A_22) -> (vector<16xf32>)  : i32 {
        %mul3A_72 = arith.constant 16 : i32
        %mul3A_73 = arith.muli %scan3A_70, %mul3A_72 : i32
        %multiple_of3A = tpu.assume_multiple %mul3A_73, 16 : i32
        %get3A = arith.index_cast %multiple_of3A : i32 to index
        %get3A_74 = tpu.vector_load %arg6[%get3A] {strides = array<i32>} : memref<1024xf32, #tpu.memory_space<vmem>>, vector<16xf32>,
        %rev3A = arith.constant 15 : i32
        %rev3A_75 = vector.broadcast %rev3A : i32 to vector<16xi32>
        %rev3A_76 = tpu.iota {dimensions = array<i32: 0>} : vector<16xi32>
        %rev3A_77 = arith.subi %rev3A_75, %rev3A_76 : vector<16xi32>
        %rev3A_78 = tpu.dynamic_gather %get3A_74[%rev3A_77] in [0] : vector<16xf32>, vector<16xi32> -> vector<16xf32>
        %max3A = arith.maximumf %scan3A_71, %rev3A_78 : vector<16xf32>
        %sort3A = arith.constant dense<true> : vector<16xi1>
        %sort3A_79, %sort3A_80, %sort3A_81 = tpu.sort %max3A, %max3A masked %sort3A : (vector<16xf32>, vector<16xf32>, vector<16xi1>) -> (vector<16xi1>, vector<16xf32>, vector<16xf32>)
        scf.yield %sort3A_80 : vector<16xf32>
      }
      %scan3A_28 = arith.constant 57 : i32
      %eq3A = arith.constant 4 : i32
      %eq3A_29 = vector.broadcast %eq3A : i32 to vector<16xi32>
      %eq3A_30 = arith.cmpi eq, %iota3A, %eq3A_29 : vector<16xi32>
      %jit3A = arith.constant -3.000000e+38 : f32
      %broadcast_in_dim3A_31 = vector.broadcast %jit3A : f32 to vector<16xf32>
      %select_n3A = arith.select %eq3A_30, %scan3A_27, %broadcast_in_dim3A_31 : vector<16xi1>, vector<16xf32>
      %reduce_max3A = arith.constant true
      %reduce_max3A_32 = vector.broadcast %reduce_max3A : i1 to vector<16xi1>
      %reduce_max3A_33 = tpu.scan <max>, %select_n3A masked %reduce_max3A_32 : vector<16xf32>, vector<16xi1> -> vector<16xf32>
      %reduce_max3A_34 = vector.extract %reduce_max3A_33[15] : f32 from vector<16xf32>
      %gt3A = vector.broadcast %reduce_max3A_34 : f32 to vector<16xf32>
      %gt3A_35 = arith.cmpf ogt, %scan3A_27, %gt3A : vector<16xf32>
      %all_reduce_population_count3A = tpu.all_reduce %gt3A_35 {dim = 0 : i64, kind = #tpu.reduction_kind<sum>} : vector<16xi1> -> vector<16xi32>
      %sub3A = arith.constant 12 : i32
      %sub3A_36 = vector.broadcast %sub3A : i32 to vector<16xi32>
      %sub3A_37 = arith.subi %sub3A_36, %all_reduce_population_count3A : vector<16xi32>
      %scan3A_38 = arith.constant 0 : i32
      %scan3A_39 = arith.constant 57 : i32
      %scan3A_40 = arith.addi %scan3A_38, %scan3A_39 : i32
      %scan3A_41 = arith.constant 1 : i32
      %scan3A_42:2 = scf.for %scan3A_70 = %scan3A_38 to %scan3A_40 step %scan3A_41 iter_args(%scan3A_71 = %broadcast_in_dim3A_1, %scan3A_72 = %broadcast_in_dim3A_1) -> (vector<16xi32>, vector<16xi32>)  : i32 {
        %mul3A_73 = arith.constant 16 : i32
        %mul3A_74 = arith.muli %scan3A_70, %mul3A_73 : i32
        %multiple_of3A = tpu.assume_multiple %mul3A_74, 16 : i32
        %get3A = arith.index_cast %multiple_of3A : i32 to index
        %get3A_75 = tpu.vector_load %arg5[%get3A] {strides = array<i32>} : memref<1024xf32, #tpu.memory_space<vmem>>, vector<16xf32>,
        %gt3A_76 = vector.broadcast %reduce_max3A_34 : f32 to vector<16xf32>
        %gt3A_77 = arith.cmpf ogt, %get3A_75, %gt3A_76 : vector<16xf32>
        %eq3A_78 = vector.broadcast %reduce_max3A_34 : f32 to vector<16xf32>
        %eq3A_79 = arith.cmpf oeq, %get3A_75, %eq3A_78 : vector<16xf32>
        %convert_element_type3A = arith.extui %eq3A_79 : vector<16xi1> to vector<16xi32>
        %cumsum3A = arith.constant true
        %cumsum3A_80 = vector.broadcast %cumsum3A : i1 to vector<16xi1>
        %cumsum3A_81 = tpu.scan <sum>, %convert_element_type3A masked %cumsum3A_80 : vector<16xi32>, vector<16xi1> -> vector<16xi32>
        %add3A_82 = arith.addi %scan3A_72, %cumsum3A_81 : vector<16xi32>
        %le3A = arith.cmpi sle, %add3A_82, %sub3A_37 : vector<16xi32>
        %and3A_83 = arith.andi %eq3A_79, %le3A : vector<16xi1>
        %or3A = arith.ori %gt3A_77, %and3A_83 : vector<16xi1>
        %convert_element_type3A_84 = arith.extui %or3A : vector<16xi1> to vector<16xi32>
        %cumsum3A_85 = arith.constant true
        %cumsum3A_86 = vector.broadcast %cumsum3A_85 : i1 to vector<16xi1>
        %cumsum3A_87 = tpu.scan <sum>, %convert_element_type3A_84 masked %cumsum3A_86 : vector<16xi32>, vector<16xi1> -> vector<16xi32>
        %add3A_88 = arith.addi %scan3A_71, %cumsum3A_87 : vector<16xi32>
        %sub3A_89 = arith.constant 1 : i32
        %sub3A_90 = vector.broadcast %sub3A_89 : i32 to vector<16xi32>
        %sub3A_91 = arith.subi %add3A_88, %sub3A_90 : vector<16xi32>
        %mul3A_92 = arith.constant 16 : i32
        %mul3A_93 = arith.muli %scan3A_70, %mul3A_92 : i32
        %add3A_94 = vector.broadcast %mul3A_93 : i32 to vector<16xi32>
        %add3A_95 = arith.addi %add3A_94, %iota3A : vector<16xi32>
        %mul3A_96 = arith.constant 8 : i32
        %mul3A_97 = vector.broadcast %mul3A_96 : i32 to vector<16xi32>
        %mul3A_98 = arith.muli %add3A_95, %mul3A_97 : vector<16xi32>
        %jit3A_99 = arith.constant 8 : i32
        %div3A = arith.divsi %add3A_14, %jit3A_99 : i32
        %sign3A = arith.constant 0 : i32
        %sign3A_100 = arith.cmpi sgt, %add3A_14, %sign3A : i32
        %sign3A_101 = arith.extui %sign3A_100 : i1 to i32
        %sign3A_102 = arith.constant 0 : i32
        %sign3A_103 = arith.cmpi slt, %add3A_14, %sign3A_102 : i32
        %sign3A_104 = arith.extui %sign3A_103 : i1 to i32
        %sign3A_105 = arith.subi %sign3A_101, %sign3A_104 : i32
        %sign3A_106 = arith.constant 0 : i32
        %sign3A_107 = arith.cmpi sgt, %jit3A_99, %sign3A_106 : i32
        %sign3A_108 = arith.extui %sign3A_107 : i1 to i32
        %sign3A_109 = arith.constant 0 : i32
        %sign3A_110 = arith.cmpi slt, %jit3A_99, %sign3A_109 : i32
        %sign3A_111 = arith.extui %sign3A_110 : i1 to i32
        %sign3A_112 = arith.subi %sign3A_108, %sign3A_111 : i32
        %ne3A_113 = arith.cmpi ne, %sign3A_105, %sign3A_112 : i32
        %rem3A_114 = arith.remsi %add3A_14, %jit3A_99 : i32
        %ne3A_115 = arith.constant 0 : i32
        %ne3A_116 = arith.cmpi ne, %rem3A_114, %ne3A_115 : i32
        %and3A_117 = arith.andi %ne3A_113, %ne3A_116 : i1
        %sub3A_118 = arith.constant 1 : i32
        %sub3A_119 = arith.subi %div3A, %sub3A_118 : i32
        %select_n3A_120 = arith.select %and3A_117, %sub3A_119, %div3A : i32
        %add3A_121 = vector.broadcast %select_n3A_120 : i32 to vector<16xi32>
        %add3A_122 = arith.addi %mul3A_98, %add3A_121 : vector<16xi32>
        tpu.vector_store_idx %arg7[%sub3A_91], %add3A_122 masked %or3A : memref<12xi32, #tpu.memory_space<vmem>>[vector<16xi32>], vector<16xi32>, vector<16xi1>
        %all_reduce_population_count3A_123 = tpu.all_reduce %or3A {dim = 0 : i64, kind = #tpu.reduction_kind<sum>} : vector<16xi1> -> vector<16xi32>
        %add3A_124 = arith.addi %scan3A_71, %all_reduce_population_count3A_123 : vector<16xi32>
        %all_reduce_population_count3A_125 = tpu.all_reduce %eq3A_79 {dim = 0 : i64, kind = #tpu.reduction_kind<sum>} : vector<16xi1> -> vector<16xi32>
        %add3A_126 = arith.addi %scan3A_72, %all_reduce_population_count3A_125 : vector<16xi32>
        scf.yield %add3A_124, %add3A_126 : vector<16xi32>, vector<16xi32>
      }
      %scan3A_43 = arith.constant 57 : i32
      %dma_start3A = arith.constant 0 : i32
      %dma_start3A_44 = arith.constant 0 : i32
      %dma_start3A_45 = arith.constant 0 : i32
      %dma_start3A_46 = arith.constant 0 : i32
      %dma_start3A_47 = tpu.memref_slice %arg3[%dma_start3A, %dma_start3A_44, %dma_start3A_45, %dma_start3A_46] : memref<7200x2x8x128xf32, #tpu.memory_space<hbm>> -> memref<7200x2x8x128xf32, #tpu.memory_space<hbm>>
      tpu.enqueue_indirect_dma source(%dma_start3A_47 : memref<7200x2x8x128xf32, #tpu.memory_space<hbm>>) target(%arg8 : memref<12x2x8x128xf32, #tpu.memory_space<vmem>>) offsets(%arg7 : memref<12xi32, #tpu.memory_space<vmem>>) semaphore(%arg10 : memref<!tpu.dma_semaphore, #tpu.memory_space<semaphore_mem>>)
      %dma_wait3A = arith.constant 0 : i32
      %dma_wait3A_48 = arith.constant 0 : i32
      %dma_wait3A_49 = arith.constant 0 : i32
      %dma_wait3A_50 = arith.constant 0 : i32
      %dma_wait3A_51 = tpu.memref_slice %arg3[%dma_wait3A, %dma_wait3A_48, %dma_wait3A_49, %dma_wait3A_50] : memref<7200x2x8x128xf32, #tpu.memory_space<hbm>> -> memref<7200x2x8x128xf32, #tpu.memory_space<hbm>>
      tpu.wait_indirect_dma semaphore(%arg10 : memref<!tpu.dma_semaphore, #tpu.memory_space<semaphore_mem>>) src(%dma_wait3A_51 : memref<7200x2x8x128xf32, #tpu.memory_space<hbm>>) dst(%arg8 : memref<12x2x8x128xf32, #tpu.memory_space<vmem>>)
      %jit3A_52 = arith.constant 8 : i32
      %eq3A_53 = arith.constant 0 : i32
      %eq3A_54 = arith.cmpi eq, %jit3A_52, %eq3A_53 : i32
      %jit3A_55 = arith.constant 1 : i32
      %select_n3A_56 = arith.select %eq3A_54, %jit3A_55, %jit3A_52 : i32
      %rem3A = arith.remsi %add3A_14, %select_n3A_56 : i32
      %ne3A = arith.constant 0 : i32
      %ne3A_57 = arith.cmpi ne, %rem3A, %ne3A : i32
      %lt3A = arith.constant 0 : i32
      %lt3A_58 = arith.cmpi slt, %rem3A, %lt3A : i32
      %lt3A_59 = arith.constant 0 : i32
      %lt3A_60 = arith.cmpi slt, %select_n3A_56, %lt3A_59 : i32
      %ne3A_61 = arith.xori %lt3A_58, %lt3A_60 : i1
      %and3A = arith.andi %ne3A_61, %ne3A_57 : i1
      %add3A_62 = arith.addi %rem3A, %select_n3A_56 : i32
      %select_n3A_63 = arith.select %and3A, %add3A_62, %rem3A : i32
      %scan3A_64 = arith.constant 0 : i32
      %scan3A_65 = arith.constant 0 : i32
      %scan3A_66 = arith.constant 16 : i32
      %scan3A_67 = arith.addi %scan3A_65, %scan3A_66 : i32
      %scan3A_68 = arith.constant 1 : i32
      scf.for %scan3A_70 = %scan3A_65 to %scan3A_67 step %scan3A_68  : i32 {
        %jit3A_71 = arith.constant 8 : i32
        %div3A = arith.divsi %scan3A_70, %jit3A_71 : i32
        %sign3A = arith.constant 0 : i32
        %sign3A_72 = arith.cmpi sgt, %scan3A_70, %sign3A : i32
        %sign3A_73 = arith.extui %sign3A_72 : i1 to i32
        %sign3A_74 = arith.constant 0 : i32
        %sign3A_75 = arith.cmpi slt, %scan3A_70, %sign3A_74 : i32
        %sign3A_76 = arith.extui %sign3A_75 : i1 to i32
        %sign3A_77 = arith.subi %sign3A_73, %sign3A_76 : i32
        %sign3A_78 = arith.constant 0 : i32
        %sign3A_79 = arith.cmpi sgt, %jit3A_71, %sign3A_78 : i32
        %sign3A_80 = arith.extui %sign3A_79 : i1 to i32
        %sign3A_81 = arith.constant 0 : i32
        %sign3A_82 = arith.cmpi slt, %jit3A_71, %sign3A_81 : i32
        %sign3A_83 = arith.extui %sign3A_82 : i1 to i32
        %sign3A_84 = arith.subi %sign3A_80, %sign3A_83 : i32
        %ne3A_85 = arith.cmpi ne, %sign3A_77, %sign3A_84 : i32
        %rem3A_86 = arith.remsi %scan3A_70, %jit3A_71 : i32
        %ne3A_87 = arith.constant 0 : i32
        %ne3A_88 = arith.cmpi ne, %rem3A_86, %ne3A_87 : i32
        %and3A_89 = arith.andi %ne3A_85, %ne3A_88 : i1
        %sub3A_90 = arith.constant 1 : i32
        %sub3A_91 = arith.subi %div3A, %sub3A_90 : i32
        %select_n3A_92 = arith.select %and3A_89, %sub3A_91, %div3A : i32
        %jit3A_93 = arith.constant 8 : i32
        %eq3A_94 = arith.constant 0 : i32
        %eq3A_95 = arith.cmpi eq, %jit3A_93, %eq3A_94 : i32
        %jit3A_96 = arith.constant 1 : i32
        %select_n3A_97 = arith.select %eq3A_95, %jit3A_96, %jit3A_93 : i32
        %rem3A_98 = arith.remsi %scan3A_70, %select_n3A_97 : i32
        %ne3A_99 = arith.constant 0 : i32
        %ne3A_100 = arith.cmpi ne, %rem3A_98, %ne3A_99 : i32
        %lt3A_101 = arith.constant 0 : i32
        %lt3A_102 = arith.cmpi slt, %rem3A_98, %lt3A_101 : i32
        %lt3A_103 = arith.constant 0 : i32
        %lt3A_104 = arith.cmpi slt, %select_n3A_97, %lt3A_103 : i32
        %ne3A_105 = arith.xori %lt3A_102, %lt3A_104 : i1
        %and3A_106 = arith.andi %ne3A_105, %ne3A_100 : i1
        %add3A_107 = arith.addi %rem3A_98, %select_n3A_97 : i32
        %select_n3A_108 = arith.select %and3A_106, %add3A_107, %rem3A_98 : i32
        %mul3A_109 = arith.constant 16 : i32
        %mul3A_110 = arith.muli %select_n3A_108, %mul3A_109 : i32
        %multiple_of3A = tpu.assume_multiple %mul3A_110, 16 : i32
        %get3A = arith.constant 0 : i32
        %get3A_111 = arith.index_cast %get3A : i32 to index
        %get3A_112 = arith.index_cast %select_n3A_92 : i32 to index
        %get3A_113 = arith.index_cast %select_n3A_63 : i32 to index
        %get3A_114 = arith.index_cast %multiple_of3A : i32 to index
        %get3A_115 = tpu.vector_load %arg8[%get3A_111, %get3A_112, %get3A_113, %get3A_114] {strides = array<i32>} : memref<12x2x8x128xf32, #tpu.memory_space<vmem>>, vector<16xf32>,
        %get3A_116 = arith.constant 1 : i32
        %get3A_117 = arith.index_cast %get3A_116 : i32 to index
        %get3A_118 = arith.index_cast %select_n3A_92 : i32 to index
        %get3A_119 = arith.index_cast %select_n3A_63 : i32 to index
        %get3A_120 = arith.index_cast %multiple_of3A : i32 to index
        %get3A_121 = tpu.vector_load %arg8[%get3A_117, %get3A_118, %get3A_119, %get3A_120] {strides = array<i32>} : memref<12x2x8x128xf32, #tpu.memory_space<vmem>>, vector<16xf32>,
        %add3A_122 = arith.addf %get3A_115, %get3A_121 : vector<16xf32>
        %get3A_123 = arith.constant 2 : i32
        %get3A_124 = arith.index_cast %get3A_123 : i32 to index
        %get3A_125 = arith.index_cast %select_n3A_92 : i32 to index
        %get3A_126 = arith.index_cast %select_n3A_63 : i32 to index
        %get3A_127 = arith.index_cast %multiple_of3A : i32 to index
        %get3A_128 = tpu.vector_load %arg8[%get3A_124, %get3A_125, %get3A_126, %get3A_127] {strides = array<i32>} : memref<12x2x8x128xf32, #tpu.memory_space<vmem>>, vector<16xf32>,
        %add3A_129 = arith.addf %add3A_122, %get3A_128 : vector<16xf32>
        %get3A_130 = arith.constant 3 : i32
        %get3A_131 = arith.index_cast %get3A_130 : i32 to index
        %get3A_132 = arith.index_cast %select_n3A_92 : i32 to index
        %get3A_133 = arith.index_cast %select_n3A_63 : i32 to index
        %get3A_134 = arith.index_cast %multiple_of3A : i32 to index
        %get3A_135 = tpu.vector_load %arg8[%get3A_131, %get3A_132, %get3A_133, %get3A_134] {strides = array<i32>} : memref<12x2x8x128xf32, #tpu.memory_space<vmem>>, vector<16xf32>,
        %add3A_136 = arith.addf %add3A_129, %get3A_135 : vector<16xf32>
        %get3A_137 = arith.constant 4 : i32
        %get3A_138 = arith.index_cast %get3A_137 : i32 to index
        %get3A_139 = arith.index_cast %select_n3A_92 : i32 to index
        %get3A_140 = arith.index_cast %select_n3A_63 : i32 to index
        %get3A_141 = arith.index_cast %multiple_of3A : i32 to index
        %get3A_142 = tpu.vector_load %arg8[%get3A_138, %get3A_139, %get3A_140, %get3A_141] {strides = array<i32>} : memref<12x2x8x128xf32, #tpu.memory_space<vmem>>, vector<16xf32>,
        %add3A_143 = arith.addf %add3A_136, %get3A_142 : vector<16xf32>
        %get3A_144 = arith.constant 5 : i32
        %get3A_145 = arith.index_cast %get3A_144 : i32 to index
        %get3A_146 = arith.index_cast %select_n3A_92 : i32 to index
        %get3A_147 = arith.index_cast %select_n3A_63 : i32 to index
        %get3A_148 = arith.index_cast %multiple_of3A : i32 to index
        %get3A_149 = tpu.vector_load %arg8[%get3A_145, %get3A_146, %get3A_147, %get3A_148] {strides = array<i32>} : memref<12x2x8x128xf32, #tpu.memory_space<vmem>>, vector<16xf32>,
        %add3A_150 = arith.addf %add3A_143, %get3A_149 : vector<16xf32>
        %get3A_151 = arith.constant 6 : i32
        %get3A_152 = arith.index_cast %get3A_151 : i32 to index
        %get3A_153 = arith.index_cast %select_n3A_92 : i32 to index
        %get3A_154 = arith.index_cast %select_n3A_63 : i32 to index
        %get3A_155 = arith.index_cast %multiple_of3A : i32 to index
        %get3A_156 = tpu.vector_load %arg8[%get3A_152, %get3A_153, %get3A_154, %get3A_155] {strides = array<i32>} : memref<12x2x8x128xf32, #tpu.memory_space<vmem>>, vector<16xf32>,
        %add3A_157 = arith.addf %add3A_150, %get3A_156 : vector<16xf32>
        %get3A_158 = arith.constant 7 : i32
        %get3A_159 = arith.index_cast %get3A_158 : i32 to index
        %get3A_160 = arith.index_cast %select_n3A_92 : i32 to index
        %get3A_161 = arith.index_cast %select_n3A_63 : i32 to index
        %get3A_162 = arith.index_cast %multiple_of3A : i32 to index
        %get3A_163 = tpu.vector_load %arg8[%get3A_159, %get3A_160, %get3A_161, %get3A_162] {strides = array<i32>} : memref<12x2x8x128xf32, #tpu.memory_space<vmem>>, vector<16xf32>,
        %add3A_164 = arith.addf %add3A_157, %get3A_163 : vector<16xf32>
        %get3A_165 = arith.constant 8 : i32
        %get3A_166 = arith.index_cast %get3A_165 : i32 to index
        %get3A_167 = arith.index_cast %select_n3A_92 : i32 to index
        %get3A_168 = arith.index_cast %select_n3A_63 : i32 to index
        %get3A_169 = arith.index_cast %multiple_of3A : i32 to index
        %get3A_170 = tpu.vector_load %arg8[%get3A_166, %get3A_167, %get3A_168, %get3A_169] {strides = array<i32>} : memref<12x2x8x128xf32, #tpu.memory_space<vmem>>, vector<16xf32>,
        %add3A_171 = arith.addf %add3A_164, %get3A_170 : vector<16xf32>
        %get3A_172 = arith.constant 9 : i32
        %get3A_173 = arith.index_cast %get3A_172 : i32 to index
        %get3A_174 = arith.index_cast %select_n3A_92 : i32 to index
        %get3A_175 = arith.index_cast %select_n3A_63 : i32 to index
        %get3A_176 = arith.index_cast %multiple_of3A : i32 to index
        %get3A_177 = tpu.vector_load %arg8[%get3A_173, %get3A_174, %get3A_175, %get3A_176] {strides = array<i32>} : memref<12x2x8x128xf32, #tpu.memory_space<vmem>>, vector<16xf32>,
        %add3A_178 = arith.addf %add3A_171, %get3A_177 : vector<16xf32>
        %get3A_179 = arith.constant 10 : i32
        %get3A_180 = arith.index_cast %get3A_179 : i32 to index
        %get3A_181 = arith.index_cast %select_n3A_92 : i32 to index
        %get3A_182 = arith.index_cast %select_n3A_63 : i32 to index
        %get3A_183 = arith.index_cast %multiple_of3A : i32 to index
        %get3A_184 = tpu.vector_load %arg8[%get3A_180, %get3A_181, %get3A_182, %get3A_183] {strides = array<i32>} : memref<12x2x8x128xf32, #tpu.memory_space<vmem>>, vector<16xf32>,
        %add3A_185 = arith.addf %add3A_178, %get3A_184 : vector<16xf32>
        %get3A_186 = arith.constant 11 : i32
        %get3A_187 = arith.index_cast %get3A_186 : i32 to index
        %get3A_188 = arith.index_cast %select_n3A_92 : i32 to index
        %get3A_189 = arith.index_cast %select_n3A_63 : i32 to index
        %get3A_190 = arith.index_cast %multiple_of3A : i32 to index
        %get3A_191 = tpu.vector_load %arg8[%get3A_187, %get3A_188, %get3A_189, %get3A_190] {strides = array<i32>} : memref<12x2x8x128xf32, #tpu.memory_space<vmem>>, vector<16xf32>,
        %add3A_192 = arith.addf %add3A_185, %get3A_191 : vector<16xf32>
        %mul3A_193 = vector.broadcast %scan3A : f32 to vector<16xf32>
        %mul3A_194 = arith.mulf %add3A_192, %mul3A_193 : vector<16xf32>
        %mul3A_195 = arith.constant 16 : i32
        %mul3A_196 = arith.muli %scan3A_70, %mul3A_195 : i32
        %multiple_of3A_197 = tpu.assume_multiple %mul3A_196, 16 : i32
        %swap3A = arith.index_cast %multiple_of3A_197 : i32 to index
        %swap3A_198 = tpu.vector_load %arg9[%swap3A] {strides = array<i32>} : memref<256xf32, #tpu.memory_space<vmem>>, vector<16xf32>,
        tpu.vector_store %arg9[%swap3A], %mul3A_194 {strides = array<i32>} : memref<256xf32, #tpu.memory_space<vmem>>, vector<16xf32>,
      }
      %scan3A_69 = arith.constant 16 : i32
      "tpu.region"() ({
        %run_scoped3A = tpu.sem_alloc : memref<!tpu.dma_semaphore, #tpu.memory_space<semaphore_mem>>
        %dma_start3A_70 = arith.constant 0 : i32
        %dma_start3A_71 = tpu.memref_slice %arg4[%add3A_14, %dma_start3A_70] : memref<64x256xf32, #tpu.memory_space<hbm>> -> memref<1x256xf32, #tpu.memory_space<hbm>>
        %dma_start3A_72 = tpu.memref_squeeze %dma_start3A_71 : memref<1x256xf32, #tpu.memory_space<hbm>> -> memref<256xf32, #tpu.memory_space<hbm>>
        %dma_start3A_73 = arith.constant 0 : i32
        %dma_start3A_74 = tpu.memref_slice %arg4[%add3A_14, %dma_start3A_73] : memref<64x256xf32, #tpu.memory_space<hbm>> -> memref<1x256xf32, #tpu.memory_space<hbm>>
        %dma_start3A_75 = tpu.memref_squeeze %dma_start3A_74 : memref<1x256xf32, #tpu.memory_space<hbm>> -> memref<256xf32, #tpu.memory_space<hbm>>
        tpu.enqueue_dma source(%arg9 : memref<256xf32, #tpu.memory_space<vmem>>) target(%dma_start3A_75 : memref<256xf32, #tpu.memory_space<hbm>>) target_semaphore(%run_scoped3A : memref<!tpu.dma_semaphore, #tpu.memory_space<semaphore_mem>>)
        %dma_wait3A_76 = arith.constant 0 : i32
        %dma_wait3A_77 = tpu.memref_slice %arg4[%add3A_14, %dma_wait3A_76] : memref<64x256xf32, #tpu.memory_space<hbm>> -> memref<1x256xf32, #tpu.memory_space<hbm>>
        %dma_wait3A_78 = tpu.memref_squeeze %dma_wait3A_77 : memref<1x256xf32, #tpu.memory_space<hbm>> -> memref<256xf32, #tpu.memory_space<hbm>>
        %dma_wait3A_79 = arith.constant 0 : i32
        %dma_wait3A_80 = tpu.memref_slice %arg4[%add3A_14, %dma_wait3A_79] : memref<64x256xf32, #tpu.memory_space<hbm>> -> memref<1x256xf32, #tpu.memory_space<hbm>>
        %dma_wait3A_81 = tpu.memref_squeeze %dma_wait3A_80 : memref<1x256xf32, #tpu.memory_space<hbm>> -> memref<256xf32, #tpu.memory_space<hbm>>
        tpu.wait_dma2 semaphore(%run_scoped3A : memref<!tpu.dma_semaphore, #tpu.memory_space<semaphore_mem>>) src(%arg9 : memref<256xf32, #tpu.memory_space<vmem>>) dst(%dma_wait3A_81 : memref<256xf32, #tpu.memory_space<hbm>>)
        tpu.yield
      }) : () -> ()
    }
    %scan3A_6 = arith.constant 2 : i32
    return
  }
}

module attributes {stable_mosaic.version = 14 : i64} {
  func.func @_quality_body(%arg0: i32, %arg1: memref<16x80x900xf32, #tpu.memory_space<vmem>>, %arg2: memref<16x1024xf32, #tpu.memory_space<vmem>>) attributes {dimension_semantics = [#tpu.dimension_semantics<arbitrary>], iteration_bounds = array<i64: 4>, scalar_prefetch = 0 : i64, scratch_operands = 0 : i64, tpu.core_type = #tpu.core_type<tc>, window_params = [{transform_indices = @transform_0, window_bounds = array<i64: 16, 80, 900>}, {transform_indices = @transform_1, window_bounds = array<i64: 16, 1024>}]} {
    %get3A = arith.constant 0 : index
    %get3A_0 = arith.constant 0 : index
    %get3A_1 = arith.constant 0 : index
    %get3A_2 = vector.load %arg1[%get3A, %get3A_0, %get3A_1] : memref<16x80x900xf32, #tpu.memory_space<vmem>>, vector<16x80x900xf32>
    %reduce_max3A = arith.constant dense<0xFF800000> : vector<16x900xf32>
    %reduce_max3A_3 = vector.multi_reduction <maximumf>, %get3A_2, %reduce_max3A [1] : vector<16x80x900xf32> to vector<16x900xf32>
    %broadcast_in_dim3A = arith.constant -3.000000e+38 : f32
    %broadcast_in_dim3A_4 = vector.broadcast %broadcast_in_dim3A : f32 to vector<16x124xf32>
    %concatenate3A = tpu.concatenate %reduce_max3A_3, %broadcast_in_dim3A_4 in 1 : vector<16x900xf32>, vector<16x124xf32> -> vector<16x1024xf32>
    %swap3A = arith.constant 0 : index
    %swap3A_5 = arith.constant 0 : index
    %swap3A_6 = vector.load %arg2[%swap3A, %swap3A_5] : memref<16x1024xf32, #tpu.memory_space<vmem>>, vector<16x1024xf32>
    tpu.vector_store %arg2[%swap3A, %swap3A_5], %concatenate3A {strides = array<i32>} : memref<16x1024xf32, #tpu.memory_space<vmem>>, vector<16x1024xf32>,
    return
  }
  func.func @transform_0(%arg0: i32) -> (i32, i32, i32) {
    %c0_i32 = arith.constant 0 : i32
    %c0_i32_0 = arith.constant 0 : i32
    %c0_i32_1 = arith.constant 0 : i32
    return %arg0, %c0_i32, %c0_i32_0 : i32, i32, i32
  }
  func.func @transform_1(%arg0: i32) -> (i32, i32) {
    %c0_i32 = arith.constant 0 : i32
    %c0_i32_0 = arith.constant 0 : i32
    return %arg0, %c0_i32 : i32, i32
  }
}

module attributes {stable_mosaic.version = 14 : i64} {
  func.func @_gru_body(%arg0: memref<64x256xf32, #tpu.memory_space<vmem>>, %arg1: memref<64x256xf32, #tpu.memory_space<vmem>>, %arg2: memref<256x256xf32, #tpu.memory_space<vmem>>, %arg3: memref<256xf32, #tpu.memory_space<vmem>>, %arg4: memref<768x256xf32, #tpu.memory_space<vmem>>, %arg5: memref<768x256xf32, #tpu.memory_space<vmem>>, %arg6: memref<768xf32, #tpu.memory_space<vmem>>, %arg7: memref<768xf32, #tpu.memory_space<vmem>>, %arg8: memref<256xf32, #tpu.memory_space<vmem>>, %arg9: memref<256xf32, #tpu.memory_space<vmem>>, %arg10: memref<64x256xf32, #tpu.memory_space<vmem>>) attributes {dimension_semantics = [], scalar_prefetch = 0 : i64, scratch_operands = 0 : i64, tpu.core_type = #tpu.core_type<tc>} {
    %get3A = arith.constant 0 : index
    %get3A_0 = arith.constant 0 : index
    %get3A_1 = vector.load %arg0[%get3A, %get3A_0] : memref<64x256xf32, #tpu.memory_space<vmem>>, vector<64x256xf32>
    %get3A_2 = arith.constant 0 : index
    %get3A_3 = arith.constant 0 : index
    %get3A_4 = vector.load %arg1[%get3A_2, %get3A_3] : memref<64x256xf32, #tpu.memory_space<vmem>>, vector<64x256xf32>
    %get3A_5 = arith.constant 0 : index
    %get3A_6 = arith.constant 0 : index
    %get3A_7 = vector.load %arg4[%get3A_5, %get3A_6] : memref<768x256xf32, #tpu.memory_space<vmem>>, vector<768x256xf32>
    %dot_general3A = arith.constant dense<0.000000e+00> : vector<64x768xf32>
    %dot_general3A_8 = tpu.matmul %get3A_1, %get3A_7, %dot_general3A {dimension_numbers = #tpu.dot_dimension_numbers<[1], [1], [0], [0], [0, 0, 1, 0], [], []>, transpose_lhs_hint = false} : vector<64x256xf32>, vector<768x256xf32>, vector<64x768xf32> -> vector<64x768xf32>
    %get3A_9 = arith.constant 0 : index
    %get3A_10 = vector.load %arg6[%get3A_9] : memref<768xf32, #tpu.memory_space<vmem>>, vector<768xf32>
    %broadcast_in_dim3A = vector.shape_cast %get3A_10 : vector<768xf32> to vector<1x768xf32>
    %add3A = vector.broadcast %broadcast_in_dim3A : vector<1x768xf32> to vector<64x768xf32>
    %add3A_11 = arith.addf %dot_general3A_8, %add3A : vector<64x768xf32>
    %get3A_12 = arith.constant 0 : index
    %get3A_13 = arith.constant 0 : index
    %get3A_14 = vector.load %arg5[%get3A_12, %get3A_13] : memref<768x256xf32, #tpu.memory_space<vmem>>, vector<768x256xf32>
    %dot_general3A_15 = arith.constant dense<0.000000e+00> : vector<64x768xf32>
    %dot_general3A_16 = tpu.matmul %get3A_4, %get3A_14, %dot_general3A_15 {dimension_numbers = #tpu.dot_dimension_numbers<[1], [1], [0], [0], [0, 0, 1, 0], [], []>, transpose_lhs_hint = false} : vector<64x256xf32>, vector<768x256xf32>, vector<64x768xf32> -> vector<64x768xf32>
    %get3A_17 = arith.constant 0 : index
    %get3A_18 = vector.load %arg7[%get3A_17] : memref<768xf32, #tpu.memory_space<vmem>>, vector<768xf32>
    %broadcast_in_dim3A_19 = vector.shape_cast %get3A_18 : vector<768xf32> to vector<1x768xf32>
    %add3A_20 = vector.broadcast %broadcast_in_dim3A_19 : vector<1x768xf32> to vector<64x768xf32>
    %add3A_21 = arith.addf %dot_general3A_16, %add3A_20 : vector<64x768xf32>
    %slice3A = vector.extract_strided_slice %add3A_11 {offsets = [0, 0], sizes = [64, 256], strides = [1, 1]} : vector<64x768xf32> to vector<64x256xf32>
    %slice3A_22 = vector.extract_strided_slice %add3A_11 {offsets = [0, 256], sizes = [64, 256], strides = [1, 1]} : vector<64x768xf32> to vector<64x256xf32>
    %slice3A_23 = vector.extract_strided_slice %add3A_11 {offsets = [0, 512], sizes = [64, 256], strides = [1, 1]} : vector<64x768xf32> to vector<64x256xf32>
    %slice3A_24 = vector.extract_strided_slice %add3A_21 {offsets = [0, 0], sizes = [64, 256], strides = [1, 1]} : vector<64x768xf32> to vector<64x256xf32>
    %slice3A_25 = vector.extract_strided_slice %add3A_21 {offsets = [0, 256], sizes = [64, 256], strides = [1, 1]} : vector<64x768xf32> to vector<64x256xf32>
    %slice3A_26 = vector.extract_strided_slice %add3A_21 {offsets = [0, 512], sizes = [64, 256], strides = [1, 1]} : vector<64x768xf32> to vector<64x256xf32>
    %add3A_27 = arith.addf %slice3A, %slice3A_24 : vector<64x256xf32>
    %logistic3A = arith.negf %add3A_27 : vector<64x256xf32>
    %logistic3A_28 = math.exp %logistic3A : vector<64x256xf32>
    %logistic3A_29 = arith.constant 1.000000e+00 : f32
    %logistic3A_30 = vector.broadcast %logistic3A_29 : f32 to vector<64x256xf32>
    %logistic3A_31 = arith.addf %logistic3A_30, %logistic3A_28 : vector<64x256xf32>
    %logistic3A_32 = arith.divf %logistic3A_30, %logistic3A_31 : vector<64x256xf32>
    %add3A_33 = arith.addf %slice3A_22, %slice3A_25 : vector<64x256xf32>
    %logistic3A_34 = arith.negf %add3A_33 : vector<64x256xf32>
    %logistic3A_35 = math.exp %logistic3A_34 : vector<64x256xf32>
    %logistic3A_36 = arith.constant 1.000000e+00 : f32
    %logistic3A_37 = vector.broadcast %logistic3A_36 : f32 to vector<64x256xf32>
    %logistic3A_38 = arith.addf %logistic3A_37, %logistic3A_35 : vector<64x256xf32>
    %logistic3A_39 = arith.divf %logistic3A_37, %logistic3A_38 : vector<64x256xf32>
    %mul3A = arith.mulf %logistic3A_32, %slice3A_26 : vector<64x256xf32>
    %add3A_40 = arith.addf %slice3A_23, %mul3A : vector<64x256xf32>
    %tanh3A = math.tanh %add3A_40 : vector<64x256xf32>
    %sub3A = arith.constant 1.000000e+00 : f32
    %sub3A_41 = vector.broadcast %sub3A : f32 to vector<64x256xf32>
    %sub3A_42 = arith.subf %sub3A_41, %logistic3A_39 : vector<64x256xf32>
    %mul3A_43 = arith.mulf %sub3A_42, %tanh3A : vector<64x256xf32>
    %mul3A_44 = arith.mulf %logistic3A_39, %get3A_4 : vector<64x256xf32>
    %add3A_45 = arith.addf %mul3A_43, %mul3A_44 : vector<64x256xf32>
    %reduce_sum3A = arith.constant dense<0.000000e+00> : vector<64xf32>
    %reduce_sum3A_46 = vector.multi_reduction <add>, %add3A_45, %reduce_sum3A [1] : vector<64x256xf32> to vector<64xf32>
    %broadcast_in_dim3A_47 = vector.shape_cast %reduce_sum3A_46 : vector<64xf32> to vector<64x1xf32>
    %div3A = arith.constant 2.560000e+02 : f32
    %div3A_48 = vector.broadcast %div3A : f32 to vector<64x1xf32>
    %div3A_49 = arith.divf %broadcast_in_dim3A_47, %div3A_48 : vector<64x1xf32>
    %sub3A_50 = vector.broadcast %div3A_49 : vector<64x1xf32> to vector<64x256xf32>
    %sub3A_51 = arith.subf %add3A_45, %sub3A_50 : vector<64x256xf32>
    %integer_pow3A = arith.mulf %sub3A_51, %sub3A_51 : vector<64x256xf32>
    %reduce_sum3A_52 = arith.constant dense<0.000000e+00> : vector<64xf32>
    %reduce_sum3A_53 = vector.multi_reduction <add>, %integer_pow3A, %reduce_sum3A_52 [1] : vector<64x256xf32> to vector<64xf32>
    %broadcast_in_dim3A_54 = vector.shape_cast %reduce_sum3A_53 : vector<64xf32> to vector<64x1xf32>
    %div3A_55 = arith.constant 2.560000e+02 : f32
    %div3A_56 = vector.broadcast %div3A_55 : f32 to vector<64x1xf32>
    %div3A_57 = arith.divf %broadcast_in_dim3A_54, %div3A_56 : vector<64x1xf32>
    %sub3A_58 = vector.broadcast %div3A_49 : vector<64x1xf32> to vector<64x256xf32>
    %sub3A_59 = arith.subf %add3A_45, %sub3A_58 : vector<64x256xf32>
    %add3A_60 = arith.constant 9.99999974E-6 : f32
    %add3A_61 = vector.broadcast %add3A_60 : f32 to vector<64x1xf32>
    %add3A_62 = arith.addf %div3A_57, %add3A_61 : vector<64x1xf32>
    %sqrt3A = math.sqrt %add3A_62 : vector<64x1xf32>
    %div3A_63 = vector.broadcast %sqrt3A : vector<64x1xf32> to vector<64x256xf32>
    %div3A_64 = arith.divf %sub3A_59, %div3A_63 : vector<64x256xf32>
    %get3A_65 = arith.constant 0 : index
    %get3A_66 = vector.load %arg8[%get3A_65] : memref<256xf32, #tpu.memory_space<vmem>>, vector<256xf32>
    %broadcast_in_dim3A_67 = vector.shape_cast %get3A_66 : vector<256xf32> to vector<1x256xf32>
    %mul3A_68 = vector.broadcast %broadcast_in_dim3A_67 : vector<1x256xf32> to vector<64x256xf32>
    %mul3A_69 = arith.mulf %div3A_64, %mul3A_68 : vector<64x256xf32>
    %get3A_70 = arith.constant 0 : index
    %get3A_71 = vector.load %arg9[%get3A_70] : memref<256xf32, #tpu.memory_space<vmem>>, vector<256xf32>
    %broadcast_in_dim3A_72 = vector.shape_cast %get3A_71 : vector<256xf32> to vector<1x256xf32>
    %add3A_73 = vector.broadcast %broadcast_in_dim3A_72 : vector<1x256xf32> to vector<64x256xf32>
    %add3A_74 = arith.addf %mul3A_69, %add3A_73 : vector<64x256xf32>
    %get3A_75 = arith.constant 0 : index
    %get3A_76 = arith.constant 0 : index
    %get3A_77 = vector.load %arg2[%get3A_75, %get3A_76] : memref<256x256xf32, #tpu.memory_space<vmem>>, vector<256x256xf32>
    %dot_general3A_78 = arith.constant dense<0.000000e+00> : vector<64x256xf32>
    %dot_general3A_79 = tpu.matmul %add3A_74, %get3A_77, %dot_general3A_78 {dimension_numbers = #tpu.dot_dimension_numbers<[1], [1], [0], [0], [0, 0, 1, 0], [], []>, transpose_lhs_hint = false} : vector<64x256xf32>, vector<256x256xf32>, vector<64x256xf32> -> vector<64x256xf32>
    %get3A_80 = arith.constant 0 : index
    %get3A_81 = vector.load %arg3[%get3A_80] : memref<256xf32, #tpu.memory_space<vmem>>, vector<256xf32>
    %broadcast_in_dim3A_82 = vector.shape_cast %get3A_81 : vector<256xf32> to vector<1x256xf32>
    %add3A_83 = vector.broadcast %broadcast_in_dim3A_82 : vector<1x256xf32> to vector<64x256xf32>
    %add3A_84 = arith.addf %dot_general3A_79, %add3A_83 : vector<64x256xf32>
    %logistic3A_85 = arith.negf %add3A_84 : vector<64x256xf32>
    %logistic3A_86 = math.exp %logistic3A_85 : vector<64x256xf32>
    %logistic3A_87 = arith.constant 1.000000e+00 : f32
    %logistic3A_88 = vector.broadcast %logistic3A_87 : f32 to vector<64x256xf32>
    %logistic3A_89 = arith.addf %logistic3A_88, %logistic3A_86 : vector<64x256xf32>
    %logistic3A_90 = arith.divf %logistic3A_88, %logistic3A_89 : vector<64x256xf32>
    %mul3A_91 = arith.constant 8.000000e-02 : f32
    %mul3A_92 = vector.broadcast %mul3A_91 : f32 to vector<64x256xf32>
    %mul3A_93 = arith.mulf %mul3A_92, %logistic3A_90 : vector<64x256xf32>
    %add3A_94 = arith.constant 1.000000e+00 : f32
    %add3A_95 = vector.broadcast %add3A_94 : f32 to vector<64x256xf32>
    %add3A_96 = arith.addf %add3A_95, %mul3A_93 : vector<64x256xf32>
    %swap3A = arith.constant 0 : index
    %swap3A_97 = arith.constant 0 : index
    %swap3A_98 = vector.load %arg10[%swap3A, %swap3A_97] : memref<64x256xf32, #tpu.memory_space<vmem>>, vector<64x256xf32>
    tpu.vector_store %arg10[%swap3A, %swap3A_97], %add3A_96 {strides = array<i32>} : memref<64x256xf32, #tpu.memory_space<vmem>>, vector<64x256xf32>,
    return
  }
}

module attributes {stable_mosaic.version = 14 : i64} {
  func.func @_apply_body(%arg0: i32, %arg1: memref<100x64x256xf32, #tpu.memory_space<vmem>>, %arg2: memref<1x64x256xf32, #tpu.memory_space<vmem>>, %arg3: memref<100x64x256xf32, #tpu.memory_space<vmem>>) attributes {dimension_semantics = [#tpu.dimension_semantics<arbitrary>], iteration_bounds = array<i64: 9>, scalar_prefetch = 0 : i64, scratch_operands = 0 : i64, tpu.core_type = #tpu.core_type<tc>, window_params = [{transform_indices = @transform_0, window_bounds = array<i64: 100, 64, 256>}, {pipeline_mode = #tpu.pipeline_mode<synchronous>, transform_indices = @transform_1, window_bounds = array<i64: 1, 64, 256>}, {transform_indices = @transform_2, window_bounds = array<i64: 100, 64, 256>}]} {
    %get3A = arith.constant 0 : index
    %get3A_0 = arith.constant 0 : index
    %get3A_1 = arith.constant 0 : index
    %get3A_2 = vector.load %arg1[%get3A, %get3A_0, %get3A_1] : memref<100x64x256xf32, #tpu.memory_space<vmem>>, vector<100x64x256xf32>
    %get3A_3 = arith.constant 0 : index
    %get3A_4 = arith.constant 0 : index
    %get3A_5 = arith.constant 0 : index
    %get3A_6 = vector.load %arg2[%get3A_3, %get3A_4, %get3A_5] : memref<1x64x256xf32, #tpu.memory_space<vmem>>, vector<1x64x256xf32>
    %mul3A = vector.broadcast %get3A_6 : vector<1x64x256xf32> to vector<100x64x256xf32>
    %mul3A_7 = arith.mulf %get3A_2, %mul3A : vector<100x64x256xf32>
    %swap3A = arith.constant 0 : index
    %swap3A_8 = arith.constant 0 : index
    %swap3A_9 = arith.constant 0 : index
    %swap3A_10 = vector.load %arg3[%swap3A, %swap3A_8, %swap3A_9] : memref<100x64x256xf32, #tpu.memory_space<vmem>>, vector<100x64x256xf32>
    tpu.vector_store %arg3[%swap3A, %swap3A_8, %swap3A_9], %mul3A_7 {strides = array<i32>} : memref<100x64x256xf32, #tpu.memory_space<vmem>>, vector<100x64x256xf32>,
    return
  }
  func.func @transform_0(%arg0: i32) -> (i32, i32, i32) {
    %c0_i32 = arith.constant 0 : i32
    %c0_i32_0 = arith.constant 0 : i32
    %c0_i32_1 = arith.constant 0 : i32
    return %arg0, %c0_i32, %c0_i32_0 : i32, i32, i32
  }
  func.func @transform_1(%arg0: i32) -> (i32, i32, i32) {
    %c0_i32 = arith.constant 0 : i32
    %c0_i32_0 = arith.constant 0 : i32
    %c0_i32_1 = arith.constant 0 : i32
    %c0_i32_2 = arith.constant 0 : i32
    return %c0_i32, %c0_i32_0, %c0_i32_1 : i32, i32, i32
  }
  func.func @transform_2(%arg0: i32) -> (i32, i32, i32) {
    %c0_i32 = arith.constant 0 : i32
    %c0_i32_0 = arith.constant 0 : i32
    %c0_i32_1 = arith.constant 0 : i32
    return %arg0, %c0_i32, %c0_i32_0 : i32, i32, i32
  }
}

</mosaic_0001>

<sc_bundles>
// kernel: kernel.6.cloned.1.call-start
scs
__scs_entry_jumppad:
0x0: {  	(pc) =	sbr.rel $0x88, $3  }
0x1: {  	(tag) =	ssettag $0x0;
	lr =	simm.s32 $0x1  }
0x2: {  	[smem:$0x3F96] =	sst lr;
	_ =	strace $0xD0000000  }
0x3: {  	_ = 	snop  }
0x4: {  	_ = 	snop  }
0x5: {  	_ = 	snop  }
0x6: {  	_ = 	snop  }
0x7: {  	_ = 	snop  }
__scs_overlays_trampoline_lowered:
0x8: {  	[smem:$0x3FA5] =	sst s0  }
0x9: {  	[smem:$0x3FA6] =	sst s1  }
0xa: {  	[smem:$0x3FA7] =	sst s2  }
0xb: {  	[smem:$0x3FA8] =	sst s3  }
0xc: {  	[smem:$0x3FA9] =	sst s4  }
0xd: {  	[smem:$0x3FAA] =	sst s5  }
0xe: {  	[smem:$0x3FAB] =	sst s6  }
0xf: {  	[smem:$0x3FAC] =	sst s7  }
0x10: {  	[smem:$0x3FAD] =	sst s8  }
0x11: {  	[smem:$0x3FAE] =	sst s9;
	s0 =	simm.s32 @!p0 $0x0  }
0x12: {  	s1 =	sld [smem:$0x3F94];
	s0 =	simm.s32 @p0 $0x1  }
0x13: {  	[smem:$0x3FAF] =	sst s0;
	s0 =	simm.s32 @!p1 $0x0  }
0x14: {  	s2 =	sld [smem:$0x3F93];
	s0 =	simm.s32 @p1 $0x1  }
0x15: {  	[smem:$0x3FB0] =	sst s0;
	s0 =	simm.s32 @!p2 $0x0  }
0x16: {  	s3 =	sld [smem:$0x3FDB];
	s0 =	simm.s32 @p2 $0x1  }
0x17: {  	s4 =	simm.s32 $0x1BF5;
	[smem:$0x3FB2] =	sst s0  }
0x18: {  	s0 =	sld [smem:$0x3F95];
	_ =	swait.ge [sflag:s4], $0x0  }
0x19: {  	s7 =	sld [smem:$0x3F96]  }
0x1a: {  	s8 =	sadd.s32 $0xFFFFE003, lr  }
0x1b: {  	s9 =	sadd.s32 $0xFFFFFEF7, lr;
	s5 =	simm.s32 $0xFFFFFFFF;
	p2 =	slt.u32 s8, $0xFFFFF086  }
0x1c: {  	p1 =	slt.u32 s9, $0xF7A;
	s5 =	simm.s32 @!p2 $0x0  }
0x1d: {  	s5 =	simm.s32 @p1 $0x1;
	p0 =	seq.s32 s7, s2  }
0x1e: {  	s7 =	smul.u32 @!p0 $0xF7A, s2;
	p2 =	seq.s32 @!p0 s5, $0x0  }
0x1f: {  	s9 =	smul.u32 $0xF7A, s1;
	s8 =	simm.s32 @!p0 $0x1BF5;
	p2 =	por !p2, p0  }
0x20: {  	[sflag:s8] =	ssyncset.s32 @!p0 $0xFFFFF086;
	s6 =	sadd.s32 @!p0 s3, s7;
	s7 =	simm.s32 @!p0 $0x108  }
0x21: {  	s3 =	sadd.s32 s3, s9;
	s6 =	sadd.s32 @!p0 $0x88, s6;
	s7 =	simm.s32 @p2 $0x1082  }
0x22: {  	[simem:s7], [sflag:s8] =	dma.local @!p0 [hbm:s6], $0xF7A  }
0x23: {  	s9 =	sor.u32 $0xD0000000, s2;
	s6 =	simm.s32 $0x108;
	_ =	swait.ge @!p0 [sflag:s8], $0x0  }
0x24: {  	s3 =	sadd.s32 $0x88, s3;
	s6 =	simm.s32 @!p1 $0x1082;
	[sflag:s4] =	ssyncset.s32 $0xFFFFF086  }
0x25: {  	[simem:s6], [sflag:s4] =	dma.local [hbm:s3], $0xF7A  }
0x26: {  	[smem:$0x3F96] =	sst s1;
	(tag) =	ssettag s2;
	_ =	strace s9  }
0x27: {  	s1 =	sld [smem:$0x3FA6]  }
0x28: {  	s2 =	sld [smem:$0x3FA7]  }
0x29: {  	s4 =	sld [smem:$0x3FA9]  }
0x2a: {  	p0 =	seq.s32 s5, $0x0;
	s5 =	sld [smem:$0x3FAA]  }
0x2b: {  	s6 =	sld [smem:$0x3FAB]  }
0x2c: {  	s7 =	sld [smem:$0x3FAC]  }
0x2d: {  	s3 =	simm.s32 $0x108;
	s8 =	sld [smem:$0x3FAD]  }
0x2e: {  	s3 =	simm.s32 @!p0 $0x1082;
	s9 =	sld [smem:$0x3FAE]  }
0x2f: {  	lr =	sadd.s32 s0, s3;
	s0 =	sld [smem:$0x3FA5]  }
0x30: {  	s3 =	sld [smem:$0x3FA8]  }
0x31: {  	[smem:$0x3FB1] =	sst s10  }
0x32: {  	s10 =	sld [smem:$0x3FAF];
	_ =	sdelay $0x3  }
0x33: {  	p0 =	seq.s32 s10, $0x1;
	s10 =	sld [smem:$0x3FB1];
	_ =	sdelay $0x3  }
0x34: {  	[smem:$0x3FB1] =	sst s10  }
0x35: {  	s10 =	sld [smem:$0x3FB0];
	_ =	sdelay $0x3  }
0x36: {  	p1 =	seq.s32 s10, $0x1;
	s10 =	sld [smem:$0x3FB1];
	_ =	sdelay $0x3  }
0x37: {  	[smem:$0x3FB1] =	sst s10  }
0x38: {  	s10 =	sld [smem:$0x3FB2]  }
0x39: {  	_ = 	snop;
	(pc) =	sbr.ind lr, $3  }
0x3a: {  	_ = 	snop  }
0x3b: {  	_ = 	snop  }
0x3c: {  	p2 =	seq.s32 s10, $0x1;
	s10 =	sld [smem:$0x3FB1]  }
0x3d: {  	_ =	shalt  }
0x3e: {  	_ =	shalt  }
0x3f: {  	_ =	shalt  }
0x40: {  	_ =	shalt  }
0x41: {  	_ =	shalt  }
0x42: {  	_ =	shalt  }
0x43: {  	_ =	shalt  }
0x44: {  	_ =	shalt  }
0x45: {  	_ =	shalt  }
0x46: {  	_ =	shalt  }
0x47: {  	_ =	shalt  }
0x48: {  	_ =	shalt  }
0x49: {  	_ =	shalt  }
0x4a: {  	_ =	shalt  }
0x4b: {  	_ =	shalt  }
0x4c: {  	_ =	shalt  }
0x4d: {  	_ =	shalt  }
0x4e: {  	_ =	shalt  }
0x4f: {  	_ =	shalt  }
0x50: {  	_ =	shalt  }
0x51: {  	_ =	shalt  }
0x52: {  	_ =	shalt  }
0x53: {  	_ =	shalt  }
0x54: {  	_ =	shalt  }
0x55: {  	_ =	shalt  }
0x56: {  	_ =	shalt  }
0x57: {  	_ =	shalt  }
0x58: {  	_ =	shalt  }
0x59: {  	_ =	shalt  }
0x5a: {  	_ =	shalt  }
0x5b: {  	_ =	shalt  }
0x5c: {  	_ =	shalt  }
0x5d: {  	_ =	shalt  }
0x5e: {  	_ =	shalt  }
0x5f: {  	_ =	shalt  }
0x60: {  	_ =	shalt  }
0x61: {  	_ =	shalt  }
0x62: {  	_ =	shalt  }
0x63: {  	_ =	shalt  }
0x64: {  	_ =	shalt  }
0x65: {  	_ =	shalt  }
0x66: {  	_ =	shalt  }
0x67: {  	_ =	shalt  }
0x68: {  	_ =	shalt  }
0x69: {  	_ =	shalt  }
0x6a: {  	_ =	shalt  }
0x6b: {  	_ =	shalt  }
0x6c: {  	_ =	shalt  }
0x6d: {  	_ =	shalt  }
0x6e: {  	_ =	shalt  }
0x6f: {  	_ =	shalt  }
0x70: {  	_ =	shalt  }
0x71: {  	_ =	shalt  }
0x72: {  	_ =	shalt  }
0x73: {  	_ =	shalt  }
0x74: {  	_ =	shalt  }
0x75: {  	_ =	shalt  }
0x76: {  	_ =	shalt  }
0x77: {  	_ =	shalt  }
0x78: {  	_ =	shalt  }
0x79: {  	_ =	shalt  }
0x7a: {  	_ =	shalt  }
0x7b: {  	_ =	shalt  }
0x7c: {  	_ =	shalt  }
0x7d: {  	_ =	shalt  }
0x7e: {  	_ =	shalt  }
0x7f: {  	_ =	shalt  }
0x80: {  	_ =	shalt  }
0x81: {  	_ =	shalt  }
0x82: {  	_ =	shalt  }
0x83: {  	_ =	shalt  }
0x84: {  	_ =	shalt  }
0x85: {  	_ =	shalt  }
0x86: {  	_ =	shalt  }
0x87: {  	_ =	shalt  }
.Lfunc_end0:
.L_simem_size_0:
called_computation_lowered:
.L_overlay_start_0:
0x88: {  	s2 =	sld [smem:$0x3FD9]  }
0x89: {  	s3 =	sld [smem:$0x3FFE];
	_ =	sdelay $0x1  }
0x8a: {  	s1 =	srdreg.scid  }
0x8b: {  	s0 =	sand.u32 $0x1, s1  }
0x8c: {  	s17 =	sshll.u32 s0, $0xA;
	s2 =	sadd.s32 s3, s2  }
0x8d: {  	s2 =	sadd.s32 s2, s17  }
0x8e: {  	[smem:$0x3FBD] =	sst s2  }
0x8f: {  	_ = 	snop  }
0x90: {  	s2 =	sld [smem:$0x3FC9]  }
0x91: {  	s18 =	sld [smem:$0x3FD0];
	(tm) =	ssettm $0x1  }
0x92: {  	s4 =	sld [smem:$0x3FFB];
	_ =	sdelay $0x3  }
0x93: {  	_ =	strace s4  }
0x94: {  	s4 =	sld [smem:$0x3FFC];
	_ =	sdelay $0x3  }
0x95: {  	_ =	strace s4  }
0x96: {  	s4 =	sld [smem:$0x3FFD];
	_ =	sdelay $0x3  }
0x97: {  	_ =	strace s4  }
0x98: {  	_ =	strace $0x8FFFFFFF  }
0x99: {  	s19 =	sld [smem:$0x3FDB];
	_ =	sdelay $0x1  }
0x9a: {  	s5 =	simm.s32 $_scs_section_size  }
0x9b: {  	s6 =	simm.s32 $_size__tile_overlayer_lowered;
	s7 =	simm.s32 $_tile_overlayer_lowered  }
0x9c: {  	s22 =	simm.s32 $0x1BFF;
	s21 =	sshll.u32 s7, $0x1;
	s4 =	sadd.s32 s5, s19  }
0x9d: {  	s8 =	simm.s32 $0x0;
	s20 =	sshll.u32 s6, $0x1;
	s6 =	sadd.s32 s21, s4  }
0x9e: {  	[timem:s8], [sflag:s22] =	dma.local [hbm:s6], s20  }
0x9f: {  	_ =	swait.ge [sflag:s22], s20  }
0xa0: {  	s5 =	ssub.s32 $0x0, s20;
	[sflag:s22] =	ssyncset.done $0x0  }
0xa1: {  	[sflag:s22] =	ssyncadd.s32 s5;
	_ =	sdelay $0x1  }
0xa2: {  	s23 =	simm.s32 $0x1B8B  }
0xa3: {  	_ =	swait.ge [sflag:s23], $0x1  }
0xa4: {  	[sflag:s23] =	ssyncset.done $0x0  }
0xa5: {  	s25 =	simm.s32 $0x1B8E;
	s24 =	sld [smem:$0x3FFE];
	[sflag:s23] =	ssyncadd.s32 $0xFFFFFFFF  }
0xa6: {  	s26 =	simm.s32 $execute0_lowered;
	[smem:$0x3FD2] =	sst s25  }
0xa7: {  	s6 =	sshll.u32 s26, $0x1;
	_ =	strace $0x80000046;
	[dreg:$0x1] =	wrdreg $0xFFFFFFFF  }
0xa8: {  	s28 =	simm.s32 $_size_execute0_lowered;
	s4 =	sadd.s32 s4, s6;
	[dreg:$0x0] =	wrdreg $0x0  }
0xa9: {  	s6 =	sshll.u32 s28, $0x1;
	[dreg:$0x2] =	wrdreg s4  }
0xaa: {  	[dreg:$0x3] =	wrdreg s6  }
0xab: {  	[dreg:$0x4] =	wrdreg $0xC0  }
0xac: {  	_ =	task [dreg:s8], $0x5FFFF  }
0xad: {  	[dreg:$0x1] =	wrdreg $0xFFFFFFFF  }
0xae: {  	[dreg:$0x0] =	wrdreg $0x60  }
0xaf: {  	[dreg:$0x2] =	wrdreg s18  }
0xb0: {  	[dreg:$0x3] =	wrdreg s2  }
0xb1: {  	[dreg:$0x4] =	wrdreg s24  }
0xb2: {  	[dreg:$0x5] =	wrdreg $0x9  }
0xb3: {  	_ =	task.clear_ibuf [dreg:s8], $0x6FFFF;
	_ =	strace $0x90000046  }
0xb4: {  	s29 =	simm.s32 $0x9;
	_ =	strace $0x80000048  }
0xb5: {  	_ =	swait.ge [sflag:s29], $0x1  }
0xb6: {  	[sflag:s29] =	ssyncadd.s32 $0xFFFFFFFF  }
0xb7: {  	_ =	strace $0x90000048  }
0xb8: {  	_ =	sfence  }
0xb9: {  	s30 =	sld [smem:$0x0];
	_ =	sdelay $0x2  }
0xba: {  	s31 =	sshll.u32 s1, $0xD;
	s1 =	sshrl.u32 s1, $0x2  }
0xbb: {  	s3 =	sand.u32 $0x4000, s31;
	s1 =	sadd.s32 s1, s30  }
0xbc: {  	s0 =	sor.u32 s3, s0;
	s1 =	sshll.u32 s1, $0x11  }
0xbd: {  	s0 =	sor.u32 s1, s0  }
0xbe: {  	s0 =	sadd.s32 $0x8F2B, s0  }
0xbf: {  	[sflag:s0] =	ssyncadd.remote.s32 $0x1  }
0xc0: {  	_ =	sfence.sel $0xFFFF  }
0xc1: {  	[dreg:$0x0] =	wrdreg $0xFFFFFFFF;
	(pc) =	sbr.abs _section_cstart, $3  }
0xc2: {  	[dreg:$0x1] =	wrdreg $0xFFFFFFFF  }
0xc3: {  	_ =	task.clear_ibuf [dreg:s8], $0x2FFFF;
	_ =	strace $0x9FFFFFFF  }
0xc4: {  	(tm) =	ssettm $0x7FFFFFFF  }
0xc5: {  	_ =	shalt  }
tec
execute0_lowered:
.L_overlay_start_1:
0x0: {  	(tag) =	ssettag $0x1  }
0x1: {  	s1 =	rddreg [dreg:$0x0]  }
0x2: {  	s2 =	rddreg [dreg:$0x1]  }
0x3: {  	s5 =	rddreg [dreg:$0x2]  }
0x4: {  	s4 =	srdreg.scid;
	s0 =	rddreg [dreg:$0x3];
	s3 =	simm.s32 $0x0  }
0x5: {  	s11 =	simm.s32 $0x400;
	s13 =	simm.s32 $0x800;
	s14 =	simm.s32 $0xC  }
0x6: {  	s15 =	simm.s32 $0x880;
	s16 =	simm.s32 $0x1;
	s17 =	simm.s32 $0x6880  }
0x7: {  	s6 =	sand.u32 $0x1, s4;
	[smem:$0x7FF] =	sst s3;
	s4 =	stileid.u32  }
0x8: {  	s5 =	sadd.s32 $0x1C00, s5;
	s7 =	ssub.s32 $0x2, s6;
	_ =	strace $0x80000047  }
0x9: {  	v3 =	vlaneseq.u32;
	s12 =	sshrl.u32 s4, $0x1;
	s9 =	sshll.u32 s4, $0x9;
	s10 =	sshll.u32 s6, $0x8  }
0xa: {  	v1 =	vmul.u32 $0xFFFFFFFF, v3;
	s8 =	sshrl.u32 s7, $0x1;
	s6 =	sshll.u32 s12, $0xD;
	s9 =	sand.u32 $0x200, s9  }
0xb: {  	vm0 =	vcmask $0xF14;
	v2 =	vimm.s32 $0x0;
	s8 =	ssub.s32 s7, s8;
	s7 =	sshll.u32 s12, $0xB;
	s9 =	sor.u32 s10, s9  }
0xc: {  	v3 =	vmul.u32 $0x8, v3;
	v0 =	vmov s12;
	v1 =	vadd.s32 $0xF, v1;
	s10 =	simm.s32 $0x80;
	s12 =	simm.s32 $0x2;
	s8 =	smax.u32 s8, $0x1  }
.LBB2_1:
0xd: {  	p1 =	por $0x1, $0x1;
	s18 =	simm.s32 $0x0  }
.LBB2_2:
0xe: {  	s18 =	sor.u32 s9, s18  }
0xf: {  	s19 =	sor.u32 s6, s18  }
0x10: {  	s19 =	sshrl.u32 s19, $0x3  }
0x11: {  	s20 =	simm.s32 $0x0;
	s19 =	sadd.s32 s1, s19  }
0x12: {  	[tilespmem:s20], [sflag:$0x2] =	stream.strided.gather [hbm4b:s19+s10], $0x400, s11, s10, $0x38;
	[tilespmem:$0x6980] =	vst v63  }
0x13: {  	_ =	swait.ge [sflag:s12], $0x400  }
0x14: {  	[sflag:s12] =	ssyncset.done $0x0  }
0x15: {  	s21 =	simm.s32 $0x0;
	[sflag:s12] =	ssyncadd.s32 $0xFFFFFC00  }
0x16: {  	v4 =	vld [tilespmem:s21+$0x0]  }
0x17: {  	s20 =	simm.s32 $0x10  }
0x18: {  	v5 =	vld [tilespmem:s20+$0x0];
	_ =	sdelay $0x2  }
0x19: {  	(xrf1) =	vsort.ascd.msk.f32 $0xffff, v4, v4;
	_ =	sdelay $0x1  }
0x1a: {  	(xrf1) =	vsort.ascd.msk.f32 $0xffff, v5, v5;
	_ =	sdelay $0x5  }
0x1b: {  	s22 =	simm.s32 $0x20;
	p0 =	por p1, p1;
	s24 =	simm.s32 $0xC0  }
0x1c: {  	s25 =	simm.s32 $0x0;
	s23 =	simm.s32 $0x10;
	s19 =	simm.s32 $0x80;
	v4 =	vld [tilespmem:s22+$0x0]  }
.LBB2_3:
0x1d: {  	p1 =	sne.s32 s24, $0xE00  }
.Ltmp0:
0x1e: {  	_ = 	snop;
	(pc) =	sbr.rel @p1 .LBB2_3-.Ltmp0, $3  }
0x1f: {  	_ =	sdelay $0x1  }
0x20: {  	s26 =	sshra.s32 s24, $0x2;
	s24 =	sadd.s32 $0x40, s24;
	v5, _, _ =	vpop (xrf1);
	_ =	sdelay $0x1  }
0x21: {  	(xrf1) =	vsort.ascd.msk.f32 $0xffff, v4, v4;
	v4 =	vld [tilespmem:s26+$0x0];
	[tilespmem:s25+$0x400] =	vst v5;
	s25 =	smov.u32 s23;
	s23 =	smov.u32 s22;
	s22 =	smov.u32 s26  }
0x22: {  	_ =	sdelay $0x2  }
0x23: {  	(xrf1) =	vsort.ascd.msk.f32 $0xffff, v4, v4;
	_ =	sdelay $0xb  }
0x24: {  	v4, _, _ =	vpop (xrf1)  }
0x25: {  	[tilespmem:s25+$0x400] =	vst v4;
	v4, _, _ =	vpop (xrf1)  }
0x26: {  	[tilespmem:s23+$0x400] =	vst v4;
	v4, _, _ =	vpop (xrf1)  }
0x27: {  	[tilespmem:s22+$0x400] =	vst v4  }
0x28: {  	v4 =	vld [tilespmem:s21+$0x400];
	_ =	sdelay $0x4  }
0x29: {  	v4 =	vperm.xlane v4, v1  }
0x2a: {  	v5 =	vimm.f32 $-3.000000010e+38  }
0x2b: {  	v4 =	vmax.f32 v5, v4  }
0x2c: {  	(xrf1) =	vsort.ascd.msk.f32 $0xffff, v4, v4  }
.LBB2_5:
0x2d: {  	p1 =	sne.s32 s19, $0xE00;
	v4 =	vld [tilespmem:s20+$0x400];
	_ =	sdelay $0x4  }
0x2e: {  	v4 =	vperm.xlane v4, v1  }
0x2f: {  	v5, _, _ =	vpop (xrf1)  }
0x30: {  	v4 =	vmax.f32 v5, v4  }
0x31: {  	(xrf1) =	vsort.ascd.msk.f32 $0xffff, v4, v4;
	_ =	sdelay $0x2  }
.Ltmp1:
0x32: {  	(pc) =	sbr.rel @p1 .LBB2_5-.Ltmp1, $2  }
0x33: {  	_ =	sdelay $0x2  }
0x34: {  	s20 =	sshra.s32 s19, $0x2;
	s19 =	sadd.s32 $0x40, s19  }
0x35: {  	v4 =	vld [tilespmem:s20+$0x400];
	_ =	sdelay $0x4  }
0x36: {  	v4 =	vperm.xlane v4, v1  }
0x37: {  	v5, _, _ =	vpop (xrf1)  }
0x38: {  	v4 =	vmax.f32 v5, v4  }
0x39: {  	(xrf1) =	vsort.ascd.msk.f32 $0xffff, v4, v4;
	_ =	sdelay $0xd  }
0x3a: {  	v5, _, _ =	vpop (xrf1)  }
0x3b: {  	v4 =	vsel vm0, $0xFF61B1E6, v5  }
0x3c: {  	(xrf0) =	vmax.scan.msk.f32 $0xffff, v4;
	_ =	sdelay $0x5  }
0x3d: {  	v4, _, _ =	vpop (xrf0)  }
0x3e: {  	v4 =	vbroadcast v4, $0xF;
	_ =	sdelay $0x1  }
0x3f: {  	vm1 =	vgt.f32 v5, v4  }
0x40: {  	v5 =	vmpcnt.ones.xlane vm1  }
0x41: {  	v8 =	vimm.s32 $0x0;
	s19 =	simm.s32 $0x0;
	v7 =	vimm.s32 $0x0  }
0x42: {  	s20 =	simm.s32 $0x10;
	v9 =	vimm.s32 $0x0;
	v6 =	vimm.s32 $0x0;
	s21 =	simm.s32 $0x0;
	v10 =	vld [tilespmem:s19+$0x0];
	v5 =	vsub.s32 $0xC, v5  }
.LBB2_7:
0x43: {  	p1 =	sne.s32 s20, $0x380;
	_ =	sdelay $0x3  }
0x44: {  	vm1 =	veq.f32 v10, v4  }
0x45: {  	v11 =	vsel vm1, $0x1, v2;
	v12 =	vmpcnt.ones.xlane vm1  }
0x46: {  	(xrf0) =	vadd.scan.msk.s32 $0xffff, v11  }
0x47: {  	v8 =	vadd.s32 v8, v12;
	_ =	sdelay $0x4  }
0x48: {  	v11, _, _ =	vpop (xrf0)  }
0x49: {  	v11 =	vadd.s32 v7, v11;
	v7 =	vmov v8  }
0x4a: {  	vm2 =	vle.s32 v11, v5  }
0x4b: {  	vm3 =	vgt.f32 v10, v4;
	vm1 =	vmand vm1, vm2  }
0x4c: {  	vm1 =	vmor vm3, vm1  }
0x4d: {  	v10 =	vsel vm1, $0x1, v2;
	v11 =	vmpcnt.ones.xlane vm1  }
0x4e: {  	(xrf0) =	vadd.scan.msk.s32 $0xffff, v10  }
0x4f: {  	v9 =	vadd.s32 v9, v11;
	_ =	sdelay $0x4  }
0x50: {  	v10, _, _ =	vpop (xrf0)  }
0x51: {  	v10 =	vadd.s32 v10, v6;
	v6 =	vmov v9  }
0x52: {  	v10 =	vadd.s32 $0xFFFFFFFF, v10  }
0x53: {  	v11 =	vmov s19;
	s19 =	smov.u32 s20  }
.Ltmp2:
0x54: {  	v11 =	vshll.u32 v11, $0x3;
	(pc) =	sbr.rel @p1 .LBB2_7-.Ltmp2, $4  }
0x55: {  	v11 =	vor.u32 v3, v11  }
0x56: {  	v11 =	vor.u32 v0, v11  }
0x57: {  	s21 =	sadd.s32 $0x10, s21;
	[tilespmem:v10+s13+$0x0] =	vst.idx.msk vm1, v11  }
0x58: {  	s20 =	sadd.s32 $0x10, s20;
	v10 =	vld [tilespmem:s21+$0x0]  }
0x59: {  	_ =	sdelay $0x3  }
0x5a: {  	vm1 =	veq.f32 v10, v4  }
0x5b: {  	v8 =	vsel vm1, $0x1, v2  }
0x5c: {  	(xrf0) =	vadd.scan.msk.s32 $0xffff, v8;
	_ =	sdelay $0x5  }
0x5d: {  	v8, _, _ =	vpop (xrf0)  }
0x5e: {  	v7 =	vadd.s32 v7, v8  }
0x5f: {  	vm2 =	vle.s32 v7, v5  }
0x60: {  	vm3 =	vgt.f32 v10, v4;
	vm1 =	vmand vm1, vm2  }
0x61: {  	vm1 =	vmor vm3, vm1  }
0x62: {  	v4 =	vsel vm1, $0x1, v2  }
0x63: {  	(xrf0) =	vadd.scan.msk.s32 $0xffff, v4;
	_ =	sdelay $0x5  }
0x64: {  	v4, _, _ =	vpop (xrf0)  }
0x65: {  	v4 =	vadd.s32 v4, v6  }
0x66: {  	v4 =	vadd.s32 $0xFFFFFFFF, v4  }
0x67: {  	v5 =	vmov s19  }
0x68: {  	v5 =	vshll.u32 v5, $0x3  }
0x69: {  	v5 =	vor.u32 v3, v5  }
0x6a: {  	v5 =	vor.u32 v0, v5  }
0x6b: {  	s30 =	simm.s32 $0x0;
	[tilespmem:v4+s13+$0x0] =	vst.idx.msk vm1, v5  }
0x6c: {  	[tilespmem:s15], [sflag:$0x1] =	stream.indirect.gather [hbm4b:s2+s14], $0x800, s13, s14, $0xb8;
	[tilespmem:$0x6980] =	vst v63  }
0x6d: {  	s20 =	sand.u32 $0x400, s30;
	_ =	swait.ge [sflag:s16], $0x6000  }
0x6e: {  	s20 =	sadd.s32 s18, s20;
	s19 =	sand.u32 $0x70, s30;
	[sflag:s16] =	ssyncset.done $0x0  }
0x6f: {  	s19 =	sadd.s32 s19, s20;
	[sflag:s16] =	ssyncadd.s32 $0xFFFFA000  }
0x70: {  	v4 =	vld [tilespmem:s19+$0x1080]  }
0x71: {  	v5 =	vld [tilespmem:s19+$0x880];
	_ =	sdelay $0x1  }
0x72: {  	v6 =	vld [tilespmem:s19+$0x1880];
	_ =	sdelay $0x1  }
0x73: {  	v7 =	vld [tilespmem:s19+$0x2080]  }
0x74: {  	v4 =	vadd.f32 v4, v5  }
0x75: {  	v5 =	vld [tilespmem:s19+$0x2880]  }
0x76: {  	v4 =	vadd.f32 v6, v4  }
0x77: {  	v6 =	vld [tilespmem:s19+$0x3080]  }
0x78: {  	v4 =	vadd.f32 v7, v4  }
0x79: {  	v7 =	vld [tilespmem:s19+$0x3880]  }
0x7a: {  	v4 =	vadd.f32 v5, v4  }
0x7b: {  	v5 =	vld [tilespmem:s19+$0x4080]  }
0x7c: {  	v4 =	vadd.f32 v6, v4  }
0x7d: {  	v6 =	vld [tilespmem:s19+$0x4880]  }
0x7e: {  	v4 =	vadd.f32 v7, v4  }
0x7f: {  	v7 =	vld [tilespmem:s19+$0x5080]  }
0x80: {  	v4 =	vadd.f32 v5, v4  }
0x81: {  	v5 =	vld [tilespmem:s19+$0x5880]  }
0x82: {  	v4 =	vadd.f32 v6, v4  }
0x83: {  	v6 =	vld [tilespmem:s19+$0x6080]  }
0x84: {  	v4 =	vadd.f32 v7, v4;
	_ =	sdelay $0x1  }
0x85: {  	v4 =	vadd.f32 v5, v4;
	_ =	sdelay $0x1  }
0x86: {  	s31 =	simm.s32 $0x80;
	v4 =	vadd.f32 v6, v4  }
0x87: {  	s21 =	sand.u32 $0x400, s31  }
0x88: {  	s23 =	sadd.s32 s18, s21;
	s20 =	simm.s32 $0x10;
	v4 =	vmul.f32 $8.333333580e-02, v4  }
0x89: {  	s21 =	simm.s32 $0x100;
	s22 =	sand.u32 $0x70, s20;
	s19 =	simm.s32 $0x6880  }
.LBB2_9:
0x8a: {  	p1 =	sne.s32 s21, $0x780;
	s22 =	sadd.s32 s22, s23;
	[tilespmem:s19+$0x0] =	vst v4  }
0x8b: {  	v4 =	vld [tilespmem:s22+$0x1080]  }
0x8c: {  	v5 =	vld [tilespmem:s22+$0x880];
	_ =	sdelay $0x1  }
0x8d: {  	v6 =	vld [tilespmem:s22+$0x1880];
	_ =	sdelay $0x1  }
0x8e: {  	v7 =	vld [tilespmem:s22+$0x2080]  }
0x8f: {  	v4 =	vadd.f32 v4, v5  }
0x90: {  	v5 =	vld [tilespmem:s22+$0x2880]  }
0x91: {  	v4 =	vadd.f32 v6, v4  }
0x92: {  	v6 =	vld [tilespmem:s22+$0x3080]  }
0x93: {  	v4 =	vadd.f32 v7, v4  }
0x94: {  	v7 =	vld [tilespmem:s22+$0x3880]  }
0x95: {  	v4 =	vadd.f32 v5, v4  }
0x96: {  	v5 =	vld [tilespmem:s22+$0x4080]  }
0x97: {  	v4 =	vadd.f32 v6, v4  }
0x98: {  	v6 =	vld [tilespmem:s22+$0x4880]  }
0x99: {  	v4 =	vadd.f32 v7, v4  }
0x9a: {  	v7 =	vld [tilespmem:s22+$0x5080]  }
0x9b: {  	v4 =	vadd.f32 v5, v4  }
0x9c: {  	v5 =	vld [tilespmem:s22+$0x5880]  }
0x9d: {  	v4 =	vadd.f32 v6, v4  }
0x9e: {  	v6 =	vld [tilespmem:s22+$0x6080]  }
0x9f: {  	v4 =	vadd.f32 v7, v4;
	_ =	sdelay $0x1  }
0xa0: {  	v4 =	vadd.f32 v5, v4  }
.Ltmp3:
0xa1: {  	(pc) =	sbr.rel @p1 .LBB2_9-.Ltmp3, $3  }
0xa2: {  	v4 =	vadd.f32 v6, v4;
	_ =	sdelay $0x1  }
0xa3: {  	s23 =	sand.u32 $0x400, s21;
	s20 =	sadd.s32 $0x10, s20;
	s19 =	sadd.s32 $0x10, s19;
	v4 =	vmul.f32 $8.333333580e-02, v4  }
0xa4: {  	s21 =	sadd.s32 $0x80, s21;
	s23 =	sadd.s32 s18, s23;
	s22 =	sand.u32 $0x70, s20  }
0xa5: {  	s20 =	sadd.s32 s22, s23;
	[tilespmem:s19+$0x0] =	vst v4  }
0xa6: {  	v4 =	vld [tilespmem:s20+$0x1080]  }
0xa7: {  	v5 =	vld [tilespmem:s20+$0x880];
	_ =	sdelay $0x1  }
0xa8: {  	v6 =	vld [tilespmem:s20+$0x1880];
	_ =	sdelay $0x1  }
0xa9: {  	v7 =	vld [tilespmem:s20+$0x2080]  }
0xaa: {  	v4 =	vadd.f32 v4, v5  }
0xab: {  	v5 =	vld [tilespmem:s20+$0x2880]  }
0xac: {  	v4 =	vadd.f32 v6, v4  }
0xad: {  	v59 =	vld [tilespmem:s20+$0x3080]  }
0xae: {  	v4 =	vadd.f32 v7, v4  }
0xaf: {  	v60 =	vld [tilespmem:s20+$0x3880]  }
0xb0: {  	v4 =	vadd.f32 v5, v4  }
0xb1: {  	v5 =	vld [tilespmem:s20+$0x4080]  }
0xb2: {  	v4 =	vadd.f32 v59, v4  }
0xb3: {  	v61 =	vld [tilespmem:s20+$0x4880]  }
0xb4: {  	v4 =	vadd.f32 v60, v4  }
0xb5: {  	v62 =	vld [tilespmem:s20+$0x5080]  }
0xb6: {  	v4 =	vadd.f32 v5, v4  }
0xb7: {  	v5 =	vld [tilespmem:s20+$0x5880]  }
0xb8: {  	v4 =	vadd.f32 v61, v4  }
0xb9: {  	v63 =	vld [tilespmem:s20+$0x6080]  }
0xba: {  	v4 =	vadd.f32 v62, v4;
	_ =	sdelay $0x1  }
0xbb: {  	v4 =	vadd.f32 v5, v4;
	_ =	sdelay $0x1  }
0xbc: {  	v4 =	vadd.f32 v63, v4;
	_ =	sdelay $0x1  }
0xbd: {  	s18 =	sor.u32 s7, s18;
	v4 =	vmul.f32 $8.333333580e-02, v4  }
0xbe: {  	s30 =	sadd.s32 $0x10, s19;
	s18 =	sshrl.u32 s18, $0x3  }
.Ltmp4:
0xbf: {  	s31 =	sadd.s32 s5, s18;
	s18 =	simm.s32 $0x80;
	[tilespmem:s30+$0x0] =	vst v4;
	(pc) =	sbr.rel @p0 .LBB2_2-.Ltmp4, $4  }
0xc0: {  	[hbm4b:s31+s18] =	stream.strided.scatter [tilespmem:s17], [sflag:$0x2], $0x100, s11, s18, $0x38;
	[tilespmem:$0x6980] =	vst v63  }
0xc1: {  	_ =	swait.ge [sflag:s12], $0x100  }
0xc2: {  	[sflag:s12] =	ssyncset.done $0x0  }
0xc3: {  	p1 =	por $0x0, $0x0;
	[sflag:s12] =	ssyncadd.s32 $0xFFFFFF00  }
0xc4: {  	s3 =	sadd.s32 $0x1, s3  }
0xc5: {  	p0 =	sne.s32 s3, s8  }
.Ltmp5:
0xc6: {  	_ = 	snop;
	(pc) =	sbr.rel @p0 .LBB2_1-.Ltmp5, $1  }
0xc7: {  	_ =	sdelay $0x3  }
0xc8: {  	_ =	sfence.sel $0x180000  }
0xc9: {  	[bflag:$0x0] =	sbarrier.arrive $0xFFFF  }
0xca: {  	p0 =	sne.s32 s4, $0x0;
	_ =	strace $0x90000047  }
0xcb: {  	s0 =	sadd.s32 @!p0 $0x100000, s0;
	[bflag:$0x2] =	sbarrier.arrive $0xFFFF  }
0xcc: {  	[sflag:s0] =	ssyncadd.tile.s32 @!p0 $0x1;
	_ =	shalt  }
.Lfunc_end2:
_tile_overlayer_lowered:
.L_overlay_start_2:
0xcd: {  	(tag) =	ssettag $0x2  }
0xce: {  	s0 =	rddreg [dreg:$0x0];
	s2 =	stileid.u32  }
0xcf: {  	s1 =	rddreg [dreg:$0x1];
	p0 =	sne.s32 s2, $0x0  }
0xd0: {  	s3 =	rddreg [dreg:$0x2];
	[bflag:$0x3] =	sbarrier.arrive $0xFFFF;
	s2 =	simm.s32 @!p0 $0x1C02  }
0xd1: {  	[timem:s3], [sflag:s2] =	dma.local @!p0 [hbm:s0], s1  }
0xd2: {  	s0 =	simm.s32 @!p0 $0x2  }
0xd3: {  	_ =	swait.ge @!p0 [sflag:s0], s1  }
0xd4: {  	s1 =	ssub.s32 @!p0 $0x0, s1;
	[sflag:s0] =	ssyncset.done @!p0 $0x0  }
0xd5: {  	[sflag:s0] =	ssyncadd.s32 @!p0 s1  }
0xd6: {  	[bflag:$0x3] =	sbarrier.arrive $0xFFFF  }
0xd7: {  	_ =	shalt  }

</sc_bundles>
